<compile_context>
chip_gen: v7x
topology: tpu7x:2x2x1
jax: 0.10.2.dev20260603
libtpu: 0.0.44.dev20260713+nightly
codegen_flags: <defaults>
</compile_context>

<pallas_src>
import functools

import jax
import jax.numpy as jnp
from jax import lax
from jax.experimental import pallas as pl
from jax.experimental.pallas import tpu as pltpu
from jax.experimental.pallas import tpu_sc as plsc

N = 10000
DIN = 128
DH = 128
C = 40
CP = 64
NC = 2
NS = 16
NW = NC * NS
B = 128
NP = 10240
RT = NP // NS
RB = 1000
f32 = jnp.float32

@functools.lru_cache(maxsize=None)
def _mesh():
    return plsc.VectorSubcoreMesh(
        core_axis_name="c", subcore_axis_name="s", num_cores=NC, num_subcores=NS
    )


def _deg_body(sdp, ones8, zeros8, out, idxr, ones_v, dacc, s_i, s_s, *, cpt):
    c = lax.axis_index("c")
    s = lax.axis_index("s")
    w = s * NC + c
    r0 = pl.multiple_of(s * RT, 8)
    pltpu.sync_copy(ones8, ones_v)
    pltpu.sync_copy(zeros8, dacc.at[pl.ds(r0, RT)])
    plsc.subcore_barrier()

    def wait_scatter(t):
        pltpu.make_async_copy(ones_v, dacc.at[idxr.at[lax.rem(t, 5)]], s_s).wait()

    def body(t, carry):
        @pl.when(jnp.logical_and(t >= 5, t - 5 < cpt))
        def _():
            wait_scatter(t - 5)

        @pl.when(t < cpt)
        def _():
            base = pl.multiple_of((w * cpt + t) * B, B)
            pltpu.async_copy(sdp.at[1, pl.ds(base, B)], idxr.at[lax.rem(t, 5)], s_i)

        @pl.when(jnp.logical_and(t >= 1, t - 1 < cpt))
        def _():
            bi = lax.rem(t - 1, 5)
            pltpu.make_async_copy(sdp.at[1, pl.ds(0, B)], idxr.at[bi], s_i).wait()
            pltpu.async_copy(ones_v, dacc.at[idxr.at[bi]], s_s, add=True)

        return carry

    lax.fori_loop(0, cpt + 1, body, 0)

    def drain(t, carry):
        wait_scatter(t)
        return carry

    lax.fori_loop(cpt + 1 - 5, cpt, drain, 0)
    plsc.subcore_barrier()
    pltpu.sync_copy(dacc.at[pl.ds(r0, RT)], out.at[c, pl.ds(r0, RT)])


def _make_deg(cpt):
    return pl.kernel(
        functools.partial(_deg_body, cpt=cpt),
        out_type=jax.ShapeDtypeStruct((NC, NP, 8), f32),
        mesh=_mesh(),
        scratch_types=[
            pltpu.VMEM((5, B), jnp.int32),
            pltpu.VMEM((B, 8), f32),
            pltpu.VMEM_SHARED((NP, 8), f32),
            pltpu.SemaphoreType.DMA,
            pltpu.SemaphoreType.DMA,
        ],
        compiler_params=pltpu.CompilerParams(use_tc_tiling_on_sc=False),
    )


def _agg_body(sdp, hp, out, idx2, rows, tab, acc, s_i, s_g, s_s, *, d, cpt2, nrb, nib):
    bf16 = jnp.bfloat16
    c = lax.axis_index("c")
    s = lax.axis_index("s")
    r0 = pl.multiple_of(s * RT, 8)
    kpr = d // 32
    col0 = c * d

    def zv(i, carry):
        r = i // kpr
        k = lax.rem(i, kpr)
        rows[0, r, pl.ds(pl.multiple_of(k * 32, 32), 32)] = jnp.zeros((32,), bf16)
        return carry

    lax.fori_loop(0, B * kpr, zv, 0)

    def zc(j, carry):
        pltpu.sync_copy(rows.at[0], acc.at[pl.ds(pl.multiple_of(r0 + j * B, 8), B)])
        return carry

    lax.fori_loop(0, RT // B, zc, 0)

    @pl.when(s < NS - 1)
    def _():
        b0 = pl.multiple_of(s * 640, 8)
        pltpu.sync_copy(hp.at[pl.ds(b0, 640), pl.ds(col0, d)], tab.at[pl.ds(b0, 640)])

    @pl.when(s == NS - 1)
    def _():
        pltpu.sync_copy(hp.at[pl.ds(9600, N - 9600), pl.ds(col0, d)],
                        tab.at[pl.ds(9600, N - 9600)])

    plsc.subcore_barrier()

    def wait_scatter(t):
        b = lax.rem(t, nrb)
        bi = lax.rem(t, nib)
        pltpu.make_async_copy(rows.at[b], acc.at[idx2.at[bi, 1]], s_s).wait()

    def body(t, carry):
        @pl.when(jnp.logical_and(t >= nib, t - nib < cpt2))
        def _():
            wait_scatter(t - nib)

        @pl.when(t < cpt2)
        def _():
            base = pl.multiple_of((s * cpt2 + t) * B, B)
            pltpu.async_copy(sdp.at[:, pl.ds(base, B)], idx2.at[lax.rem(t, nib)], s_i)

        @pl.when(jnp.logical_and(t >= 1, t - 1 < cpt2))
        def _():
            b = lax.rem(t - 1, nrb)
            bi = lax.rem(t - 1, nib)
            pltpu.make_async_copy(sdp.at[:, pl.ds(0, B)], idx2.at[bi], s_i).wait()
            pltpu.async_copy(tab.at[idx2.at[bi, 0]], rows.at[b], s_g)

        @pl.when(jnp.logical_and(t >= 2, t - 2 < cpt2))
        def _():
            b = lax.rem(t - 2, nrb)
            bi = lax.rem(t - 2, nib)
            pltpu.make_async_copy(tab.at[idx2.at[bi, 0]], rows.at[b], s_g).wait()
            pltpu.async_copy(rows.at[b], acc.at[idx2.at[bi, 1]], s_s, add=True)

        return carry

    lax.fori_loop(0, cpt2 + 2, body, 0)

    def drain(t, carry):
        wait_scatter(t)
        return carry

    lax.fori_loop(cpt2 + 2 - nib, cpt2, drain, 0)
    plsc.subcore_barrier()
    pltpu.sync_copy(acc.at[pl.ds(r0, RT)], out.at[c, pl.ds(r0, RT)])


def _make_agg(d2, cpt2):
    d = d2 // 2
    nrb, nib = (4, 6) if d == 64 else (6, 8)
    return pl.kernel(
        functools.partial(_agg_body, d=d, cpt2=cpt2, nrb=nrb, nib=nib),
        out_type=jax.ShapeDtypeStruct((NC, NP, d), jnp.bfloat16),
        mesh=_mesh(),
        scratch_types=[
            pltpu.VMEM((nib, 2, B), jnp.int32),
            pltpu.VMEM((nrb, B, d), jnp.bfloat16),
            pltpu.VMEM_SHARED((N, d), jnp.bfloat16),
            pltpu.VMEM_SHARED((NP, d), jnp.bfloat16),
            pltpu.SemaphoreType.DMA,
            pltpu.SemaphoreType.DMA,
            pltpu.SemaphoreType.DMA,
        ],
        compiler_params=pltpu.CompilerParams(use_tc_tiling_on_sc=False),
    )


def _p1_body(x_ref, w1_ref, dc_ref, hp_ref, dis_ref):
    cnt = dc_ref[0] + dc_ref[1]
    deg = jnp.sum(cnt, axis=1, keepdims=True) * 0.125 + 1.0
    dis = lax.rsqrt(deg)
    h = jnp.dot(x_ref[...], w1_ref[...], preferred_element_type=f32)
    hp_ref[...] = (h * dis).astype(hp_ref.dtype)
    dis_ref[...] = dis


_p1 = pl.pallas_call(
    _p1_body,
    grid=(N // RB,),
    in_specs=[
        pl.BlockSpec((RB, DIN), lambda i: (i, 0)),
        pl.BlockSpec((DIN, DH), lambda i: (0, 0)),
        pl.BlockSpec((NC, RB, 8), lambda i: (0, i, 0)),
    ],
    out_specs=[
        pl.BlockSpec((RB, DH), lambda i: (i, 0)),
        pl.BlockSpec((RB, 1), lambda i: (i, 0)),
    ],
    out_shape=[
        jax.ShapeDtypeStruct((N, DH), jnp.bfloat16),
        jax.ShapeDtypeStruct((N, 1), f32),
    ],
)


def _p3_body(a_ref, hp_ref, dis_ref, b1_ref, w2_ref, hp2_ref):
    agg = jnp.concatenate([a_ref[0], a_ref[1]], axis=1).astype(f32)
    dis = dis_ref[...]
    z = dis * (agg + hp_ref[...].astype(f32)) + b1_ref[...]
    z = jnp.maximum(z, 0.0)
    h2 = jnp.dot(z, w2_ref[...], preferred_element_type=f32)
    hp2_ref[...] = (h2 * dis).astype(hp2_ref.dtype)


_p3 = pl.pallas_call(
    _p3_body,
    grid=(N // RB,),
    in_specs=[
        pl.BlockSpec((NC, RB, DH // 2), lambda i: (0, i, 0)),
        pl.BlockSpec((RB, DH), lambda i: (i, 0)),
        pl.BlockSpec((RB, 1), lambda i: (i, 0)),
        pl.BlockSpec((1, DH), lambda i: (0, 0)),
        pl.BlockSpec((DH, CP), lambda i: (0, 0)),
    ],
    out_specs=pl.BlockSpec((RB, CP), lambda i: (i, 0)),
    out_shape=jax.ShapeDtypeStruct((N, CP), jnp.bfloat16),
)


def _p5_body(a_ref, hp2_ref, dis_ref, b2_ref, o_ref):
    agg = jnp.concatenate([a_ref[0], a_ref[1]], axis=1).astype(f32)
    o = dis_ref[...] * (agg + hp2_ref[...].astype(f32)) + b2_ref[...]
    colm = lax.broadcasted_iota(jnp.int32, (RB, CP), 1) < C
    om = jnp.where(colm, o, -1e30)
    m = jnp.max(om, axis=1, keepdims=True)
    e = jnp.where(colm, jnp.exp(o - m), 0.0)
    lse = jnp.log(jnp.sum(e, axis=1, keepdims=True))
    r = o - m - lse
    o_ref[...] = r[:, :C]


_p5 = pl.pallas_call(
    _p5_body,
    grid=(N // RB,),
    in_specs=[
        pl.BlockSpec((NC, RB, CP // 2), lambda i: (0, i, 0)),
        pl.BlockSpec((RB, CP), lambda i: (i, 0)),
        pl.BlockSpec((RB, 1), lambda i: (i, 0)),
        pl.BlockSpec((1, CP), lambda i: (0, 0)),
    ],
    out_specs=pl.BlockSpec((RB, C), lambda i: (i, 0)),
    out_shape=jax.ShapeDtypeStruct((N, C), f32),
)


def kernel(x, edge_index, W1, b1, W2, b2):
    e = edge_index.shape[1]
    nch = -(-e // B)
    cpt = -(-nch // NW)
    ep = cpt * NW * B
    src = edge_index[0]
    dst = edge_index[1]
    srcp = jnp.concatenate([src, jnp.zeros((ep - e,), jnp.int32)])
    dstp = jnp.concatenate([dst, jnp.full((ep - e,), N, jnp.int32)])
    sdp = jnp.stack([srcp, dstp])
    ones8 = jnp.ones((B, 8), f32)
    zeros8 = jnp.zeros((RT, 8), f32)

    cpt2 = ep // (NS * B)
    dcnt = _make_deg(cpt)(sdp, ones8, zeros8)
    hp1, dis = _p1(x, W1, dcnt)
    acc1 = _make_agg(DH, cpt2)(sdp, hp1)
    b1r = b1.reshape(1, DH)
    w2p = jnp.pad(W2, ((0, 0), (0, CP - C)))
    b2r = jnp.pad(b2, (0, CP - C)).reshape(1, CP)
    hp2 = _p3(acc1, hp1, dis, b1r, w2p)
    acc2 = _make_agg(CP, cpt2)(sdp, hp2)
    return _p5(acc2, hp2, dis, b2r)

# --- scband reference (transcript-rebuilt; emitter-appended) ---
"""Pipeline reference for scband-gcnnet-40570261078534 (READ-ONLY COPY).

The authoritative reference and input builder live on the scoring server;
editing this copy changes nothing except your own understanding.
"""

import jax, jax.numpy as jnp
import numpy as np

N = 10000
E = 320000
D_IN = 128
D_H = 128
C = 40


def setup_inputs(seed: int = 0) -> dict:
    key = jax.random.key(seed)
    k1, k2, k3, k4, k5, k6 = jax.random.split(key, 6)
    x = jax.random.normal(k1, (N, D_IN), dtype=jnp.float32)
    edge_index = jax.random.randint(k2, (2, E), 0, N, dtype=jnp.int32)
    W1 = jax.random.normal(k3, (D_IN, D_H), dtype=jnp.float32) * (1.0 / np.sqrt(D_IN))
    b1 = jnp.zeros((D_H,), dtype=jnp.float32)
    W2 = jax.random.normal(k4, (D_H, C), dtype=jnp.float32) * (1.0 / np.sqrt(D_H))
    b2 = jnp.zeros((C,), dtype=jnp.float32)
    return {"x": x, "edge_index": edge_index, "W1": W1, "b1": b1, "W2": W2, "b2": b2}


def _gcn_conv(x, edge_index, W, b):
    # GCNConv: linear transform, add self-loops, symmetric normalization, scatter-add aggregation
    h = x @ W
    src = edge_index[0]
    dst = edge_index[1]
    loop = jnp.arange(N, dtype=src.dtype)
    src = jnp.concatenate([src, loop])
    dst = jnp.concatenate([dst, loop])
    deg = jnp.zeros((N,), dtype=h.dtype).at[dst].add(1.0)
    deg_inv_sqrt = jnp.where(deg > 0, jax.lax.rsqrt(jnp.maximum(deg, 1e-12)), 0.0)
    norm = deg_inv_sqrt[src] * deg_inv_sqrt[dst]
    msg = h[src] * norm[:, None]
    out = jnp.zeros((N, h.shape[1]), dtype=h.dtype).at[dst].add(msg)
    return out + b


def reference(x, edge_index, W1, b1, W2, b2):
    # conv1 -> relu -> dropout(identity in eval) -> conv2 -> log_softmax
    h = _gcn_conv(x, edge_index, W1, b1)
    h = jax.nn.relu(h)
    # F.dropout with training=False is identity (n_hidden_layer=2 so no inner layers)
    out = _gcn_conv(h, edge_index, W2, b2)
    return jax.nn.log_softmax(out, axis=1)

if __name__ == "__main__":
    import jax
    _d = setup_inputs()
    print(jax.jit(kernel)(*tuple(_d.values())))

</pallas_src>

<mosaic_0001>
#map = affine_map<(d0, d1) -> (0, 0)>
#map1 = affine_map<(d0, d1) -> (0, 0, 0)>
module attributes {stable_mosaic.version = 14 : i64} {
  func.func @_deg_body(%arg0: i32, %arg1: i32, %arg2: memref<2x323584xi32, #tpu.memory_space<hbm>>, %arg3: memref<128x8xf32, #tpu.memory_space<hbm>>, %arg4: memref<640x8xf32, #tpu.memory_space<hbm>>, %arg5: memref<2x10240x8xf32, #tpu.memory_space<hbm>>, %arg6: memref<5x128xi32, #tpu.memory_space<vmem>>, %arg7: memref<128x8xf32, #tpu.memory_space<vmem>>, %arg8: memref<10240x8xf32, #tpu.memory_space<vmem_shared>>, %arg9: memref<!tpu.dma_semaphore, #tpu.memory_space<semaphore_mem>>, %arg10: memref<!tpu.dma_semaphore, #tpu.memory_space<semaphore_mem>>) attributes {dimension_semantics = [#tpu.dimension_semantics<core_parallel>, #tpu.dimension_semantics<subcore_parallel>], iteration_bounds = array<i64: 2, 16>, scalar_prefetch = 0 : i64, scratch_operands = 5 : i64, tpu.core_type = #tpu.core_type<sc_vector_subcore>, window_params = [{transform_indices = #map}, {transform_indices = #map}, {transform_indices = #map}, {transform_indices = #map1}]} {
    %mul3A = arith.constant 2 : i32
    %mul3A_0 = arith.muli %arg1, %mul3A : i32
    %add3A = arith.addi %mul3A_0, %arg0 : i32
    %mul3A_1 = arith.constant 640 : i32
    %mul3A_2 = arith.muli %arg1, %mul3A_1 : i32
    %multiple_of3A = tpu.assume_multiple %mul3A_2, 8 : i32
    "tpu.region"() ({
      %run_scoped3A = tpu.sem_alloc : memref<!tpu.dma_semaphore, #tpu.memory_space<semaphore_mem>>
      tpu.enqueue_dma source(%arg3 : memref<128x8xf32, #tpu.memory_space<hbm>>) target(%arg7 : memref<128x8xf32, #tpu.memory_space<vmem>>) target_semaphore(%run_scoped3A : memref<!tpu.dma_semaphore, #tpu.memory_space<semaphore_mem>>)
      tpu.wait_dma2 semaphore(%run_scoped3A : memref<!tpu.dma_semaphore, #tpu.memory_space<semaphore_mem>>) src(%arg3 : memref<128x8xf32, #tpu.memory_space<hbm>>) dst(%arg7 : memref<128x8xf32, #tpu.memory_space<vmem>>)
      tpu.yield
    }) : () -> ()
    "tpu.region"() ({
      %run_scoped3A = tpu.sem_alloc : memref<!tpu.dma_semaphore, #tpu.memory_space<semaphore_mem>>
      %dma_start3A = arith.constant 0 : i32
      %dma_start3A_15 = tpu.memref_slice %arg8[%multiple_of3A, %dma_start3A] : memref<10240x8xf32, #tpu.memory_space<vmem_shared>> -> memref<640x8xf32, #tpu.memory_space<vmem_shared>>
      tpu.enqueue_dma source(%arg4 : memref<640x8xf32, #tpu.memory_space<hbm>>) target(%dma_start3A_15 : memref<640x8xf32, #tpu.memory_space<vmem_shared>>) target_semaphore(%run_scoped3A : memref<!tpu.dma_semaphore, #tpu.memory_space<semaphore_mem>>)
      %dma_wait3A = arith.constant 0 : i32
      %dma_wait3A_16 = tpu.memref_slice %arg8[%multiple_of3A, %dma_wait3A] : memref<10240x8xf32, #tpu.memory_space<vmem_shared>> -> memref<640x8xf32, #tpu.memory_space<vmem_shared>>
      tpu.wait_dma2 semaphore(%run_scoped3A : memref<!tpu.dma_semaphore, #tpu.memory_space<semaphore_mem>>) src(%arg4 : memref<640x8xf32, #tpu.memory_space<hbm>>) dst(%dma_wait3A_16 : memref<640x8xf32, #tpu.memory_space<vmem_shared>>)
      tpu.yield
    }) : () -> ()
    %barrier3A = arith.constant 0 : index
    tpu.barrier barrier_id(%barrier3A)
    %scan3A = arith.constant 0 : i32
    %scan3A_3 = arith.constant 0 : i32
    %scan3A_4 = arith.constant 80 : i32
    %scan3A_5 = arith.addi %scan3A_3, %scan3A_4 : i32
    %scan3A_6 = arith.constant 1 : i32
    scf.for %scan3A_15 = %scan3A_3 to %scan3A_5 step %scan3A_6  : i32 {
      %ge3A = arith.constant 5 : i32
      %ge3A_16 = arith.cmpi sge, %scan3A_15, %ge3A : i32
      %sub3A = arith.constant 5 : i32
      %sub3A_17 = arith.subi %scan3A_15, %sub3A : i32
      %lt3A = arith.constant 79 : i32
      %lt3A_18 = arith.cmpi slt, %sub3A_17, %lt3A : i32
      %and3A = arith.andi %ge3A_16, %lt3A_18 : i1
      %convert_element_type3A = arith.extui %and3A : i1 to i32
      %cond3A = arith.constant 0 : i32
      %cond3A_19 = arith.cmpi ne, %convert_element_type3A, %cond3A : i32
      scf.if %cond3A_19 {
        %sub3A_35 = arith.constant 5 : i32
        %sub3A_36 = arith.subi %scan3A_15, %sub3A_35 : i32
        %rem3A = arith.constant 5 : i32
        %rem3A_37 = arith.remsi %sub3A_36, %rem3A : i32
        %dma_wait3A = arith.constant 0 : i32
        %dma_wait3A_38 = tpu.memref_slice %arg6[%rem3A_37, %dma_wait3A] : memref<5x128xi32, #tpu.memory_space<vmem>> -> memref<1x128xi32, #tpu.memory_space<vmem>>
        %dma_wait3A_39 = tpu.memref_squeeze %dma_wait3A_38 : memref<1x128xi32, #tpu.memory_space<vmem>> -> memref<128xi32, #tpu.memory_space<vmem>>
        %dma_wait3A_40 = arith.constant 0 : i32
        %dma_wait3A_41 = arith.constant 0 : i32
        %dma_wait3A_42 = tpu.memref_slice %arg8[%dma_wait3A_40, %dma_wait3A_41] : memref<10240x8xf32, #tpu.memory_space<vmem_shared>> -> memref<10240x8xf32, #tpu.memory_space<vmem_shared>>
        tpu.wait_indirect_dma semaphore(%arg10 : memref<!tpu.dma_semaphore, #tpu.memory_space<semaphore_mem>>) src(%arg7 : memref<128x8xf32, #tpu.memory_space<vmem>>) dst(%dma_wait3A_42 : memref<10240x8xf32, #tpu.memory_space<vmem_shared>>)
      } else {
      }
      %lt3A_20 = arith.constant 79 : i32
      %lt3A_21 = arith.cmpi slt, %scan3A_15, %lt3A_20 : i32
      %convert_element_type3A_22 = arith.extui %lt3A_21 : i1 to i32
      %cond3A_23 = arith.constant 0 : i32
      %cond3A_24 = arith.cmpi ne, %convert_element_type3A_22, %cond3A_23 : i32
      scf.if %cond3A_24 {
        %mul3A_35 = arith.constant 79 : i32
        %mul3A_36 = arith.muli %add3A, %mul3A_35 : i32
        %add3A_37 = arith.addi %mul3A_36, %scan3A_15 : i32
        %mul3A_38 = arith.constant 128 : i32
        %mul3A_39 = arith.muli %add3A_37, %mul3A_38 : i32
        %multiple_of3A_40 = tpu.assume_multiple %mul3A_39, 128 : i32
        %rem3A = arith.constant 5 : i32
        %rem3A_41 = arith.remsi %scan3A_15, %rem3A : i32
        %dma_start3A = arith.constant 1 : i32
        %dma_start3A_42 = arith.constant 0 : i32
        %dma_start3A_43 = tpu.memref_slice %arg6[%rem3A_41, %dma_start3A_42] : memref<5x128xi32, #tpu.memory_space<vmem>> -> memref<1x128xi32, #tpu.memory_space<vmem>>
        %dma_start3A_44 = tpu.memref_squeeze %dma_start3A_43 : memref<1x128xi32, #tpu.memory_space<vmem>> -> memref<128xi32, #tpu.memory_space<vmem>>
        %dma_start3A_45 = tpu.memref_slice %arg2[%dma_start3A, %multiple_of3A_40] : memref<2x323584xi32, #tpu.memory_space<hbm>> -> memref<1x128xi32, #tpu.memory_space<hbm>>
        %dma_start3A_46 = tpu.memref_squeeze %dma_start3A_45 : memref<1x128xi32, #tpu.memory_space<hbm>> -> memref<128xi32, #tpu.memory_space<hbm>>
        %dma_start3A_47 = arith.constant 0 : i32
        %dma_start3A_48 = tpu.memref_slice %arg6[%rem3A_41, %dma_start3A_47] : memref<5x128xi32, #tpu.memory_space<vmem>> -> memref<1x128xi32, #tpu.memory_space<vmem>>
        %dma_start3A_49 = tpu.memref_squeeze %dma_start3A_48 : memref<1x128xi32, #tpu.memory_space<vmem>> -> memref<128xi32, #tpu.memory_space<vmem>>
        %dma_start3A_50 = tpu.memref_slice %arg2[%dma_start3A, %multiple_of3A_40] : memref<2x323584xi32, #tpu.memory_space<hbm>> -> memref<1x128xi32, #tpu.memory_space<hbm>>
        %dma_start3A_51 = tpu.memref_squeeze %dma_start3A_50 : memref<1x128xi32, #tpu.memory_space<hbm>> -> memref<128xi32, #tpu.memory_space<hbm>>
        tpu.enqueue_dma source(%dma_start3A_51 : memref<128xi32, #tpu.memory_space<hbm>>) target(%dma_start3A_49 : memref<128xi32, #tpu.memory_space<vmem>>) target_semaphore(%arg9 : memref<!tpu.dma_semaphore, #tpu.memory_space<semaphore_mem>>)
      } else {
      }
      %ge3A_25 = arith.constant 1 : i32
      %ge3A_26 = arith.cmpi sge, %scan3A_15, %ge3A_25 : i32
      %sub3A_27 = arith.constant 1 : i32
      %sub3A_28 = arith.subi %scan3A_15, %sub3A_27 : i32
      %lt3A_29 = arith.constant 79 : i32
      %lt3A_30 = arith.cmpi slt, %sub3A_28, %lt3A_29 : i32
      %and3A_31 = arith.andi %ge3A_26, %lt3A_30 : i1
      %convert_element_type3A_32 = arith.extui %and3A_31 : i1 to i32
      %cond3A_33 = arith.constant 0 : i32
      %cond3A_34 = arith.cmpi ne, %convert_element_type3A_32, %cond3A_33 : i32
      scf.if %cond3A_34 {
        %sub3A_35 = arith.constant 1 : i32
        %sub3A_36 = arith.subi %scan3A_15, %sub3A_35 : i32
        %rem3A = arith.constant 5 : i32
        %rem3A_37 = arith.remsi %sub3A_36, %rem3A : i32
        %dma_wait3A = arith.constant 1 : i32
        %dma_wait3A_38 = arith.constant 0 : i32
        %dma_wait3A_39 = tpu.memref_slice %arg6[%rem3A_37, %dma_wait3A_38] : memref<5x128xi32, #tpu.memory_space<vmem>> -> memref<1x128xi32, #tpu.memory_space<vmem>>
        %dma_wait3A_40 = tpu.memref_squeeze %dma_wait3A_39 : memref<1x128xi32, #tpu.memory_space<vmem>> -> memref<128xi32, #tpu.memory_space<vmem>>
        %dma_wait3A_41 = arith.constant 0 : i32
        %dma_wait3A_42 = tpu.memref_slice %arg2[%dma_wait3A, %dma_wait3A_41] : memref<2x323584xi32, #tpu.memory_space<hbm>> -> memref<1x128xi32, #tpu.memory_space<hbm>>
        %dma_wait3A_43 = tpu.memref_squeeze %dma_wait3A_42 : memref<1x128xi32, #tpu.memory_space<hbm>> -> memref<128xi32, #tpu.memory_space<hbm>>
        %dma_wait3A_44 = arith.constant 0 : i32
        %dma_wait3A_45 = tpu.memref_slice %arg6[%rem3A_37, %dma_wait3A_44] : memref<5x128xi32, #tpu.memory_space<vmem>> -> memref<1x128xi32, #tpu.memory_space<vmem>>
        %dma_wait3A_46 = tpu.memref_squeeze %dma_wait3A_45 : memref<1x128xi32, #tpu.memory_space<vmem>> -> memref<128xi32, #tpu.memory_space<vmem>>
        %dma_wait3A_47 = arith.constant 0 : i32
        %dma_wait3A_48 = tpu.memref_slice %arg2[%dma_wait3A, %dma_wait3A_47] : memref<2x323584xi32, #tpu.memory_space<hbm>> -> memref<1x128xi32, #tpu.memory_space<hbm>>
        %dma_wait3A_49 = tpu.memref_squeeze %dma_wait3A_48 : memref<1x128xi32, #tpu.memory_space<hbm>> -> memref<128xi32, #tpu.memory_space<hbm>>
        tpu.wait_dma2 semaphore(%arg9 : memref<!tpu.dma_semaphore, #tpu.memory_space<semaphore_mem>>) src(%dma_wait3A_49 : memref<128xi32, #tpu.memory_space<hbm>>) dst(%dma_wait3A_46 : memref<128xi32, #tpu.memory_space<vmem>>)
        %dma_start3A = arith.constant 0 : i32
        %dma_start3A_50 = tpu.memref_slice %arg6[%rem3A_37, %dma_start3A] : memref<5x128xi32, #tpu.memory_space<vmem>> -> memref<1x128xi32, #tpu.memory_space<vmem>>
        %dma_start3A_51 = tpu.memref_squeeze %dma_start3A_50 : memref<1x128xi32, #tpu.memory_space<vmem>> -> memref<128xi32, #tpu.memory_space<vmem>>
        %dma_start3A_52 = arith.constant 0 : i32
        %dma_start3A_53 = arith.constant 0 : i32
        %dma_start3A_54 = tpu.memref_slice %arg8[%dma_start3A_52, %dma_start3A_53] : memref<10240x8xf32, #tpu.memory_space<vmem_shared>> -> memref<10240x8xf32, #tpu.memory_space<vmem_shared>>
        tpu.enqueue_indirect_dma source(%arg7 : memref<128x8xf32, #tpu.memory_space<vmem>>) target(%dma_start3A_54 : memref<10240x8xf32, #tpu.memory_space<vmem_shared>>) offsets(%dma_start3A_51 : memref<128xi32, #tpu.memory_space<vmem>>) semaphore(%arg10 : memref<!tpu.dma_semaphore, #tpu.memory_space<semaphore_mem>>) {add = true}
      } else {
      }
    }
    %scan3A_7 = arith.constant 80 : i32
    %scan3A_8 = arith.constant 0 : i32
    %scan3A_9 = arith.constant 75 : i32
    %scan3A_10 = arith.constant 4 : i32
    %scan3A_11 = arith.addi %scan3A_9, %scan3A_10 : i32
    %scan3A_12 = arith.constant 1 : i32
    scf.for %scan3A_15 = %scan3A_9 to %scan3A_11 step %scan3A_12  : i32 {
      %rem3A = arith.constant 5 : i32
      %rem3A_16 = arith.remsi %scan3A_15, %rem3A : i32
      %dma_wait3A = arith.constant 0 : i32
      %dma_wait3A_17 = tpu.memref_slice %arg6[%rem3A_16, %dma_wait3A] : memref<5x128xi32, #tpu.memory_space<vmem>> -> memref<1x128xi32, #tpu.memory_space<vmem>>
      %dma_wait3A_18 = tpu.memref_squeeze %dma_wait3A_17 : memref<1x128xi32, #tpu.memory_space<vmem>> -> memref<128xi32, #tpu.memory_space<vmem>>
      %dma_wait3A_19 = arith.constant 0 : i32
      %dma_wait3A_20 = arith.constant 0 : i32
      %dma_wait3A_21 = tpu.memref_slice %arg8[%dma_wait3A_19, %dma_wait3A_20] : memref<10240x8xf32, #tpu.memory_space<vmem_shared>> -> memref<10240x8xf32, #tpu.memory_space<vmem_shared>>
      tpu.wait_indirect_dma semaphore(%arg10 : memref<!tpu.dma_semaphore, #tpu.memory_space<semaphore_mem>>) src(%arg7 : memref<128x8xf32, #tpu.memory_space<vmem>>) dst(%dma_wait3A_21 : memref<10240x8xf32, #tpu.memory_space<vmem_shared>>)
    }
    %scan3A_13 = arith.constant 4 : i32
    %barrier3A_14 = arith.constant 0 : index
    tpu.barrier barrier_id(%barrier3A_14)
    "tpu.region"() ({
      %run_scoped3A = tpu.sem_alloc : memref<!tpu.dma_semaphore, #tpu.memory_space<semaphore_mem>>
      %dma_start3A = arith.constant 0 : i32
      %dma_start3A_15 = tpu.memref_slice %arg5[%arg0, %multiple_of3A, %dma_start3A] : memref<2x10240x8xf32, #tpu.memory_space<hbm>> -> memref<1x640x8xf32, #tpu.memory_space<hbm>>
      %dma_start3A_16 = tpu.memref_squeeze %dma_start3A_15 : memref<1x640x8xf32, #tpu.memory_space<hbm>> -> memref<640x8xf32, #tpu.memory_space<hbm>>
      %dma_start3A_17 = arith.constant 0 : i32
      %dma_start3A_18 = tpu.memref_slice %arg8[%multiple_of3A, %dma_start3A_17] : memref<10240x8xf32, #tpu.memory_space<vmem_shared>> -> memref<640x8xf32, #tpu.memory_space<vmem_shared>>
      tpu.enqueue_dma source(%dma_start3A_18 : memref<640x8xf32, #tpu.memory_space<vmem_shared>>) target(%dma_start3A_16 : memref<640x8xf32, #tpu.memory_space<hbm>>) target_semaphore(%run_scoped3A : memref<!tpu.dma_semaphore, #tpu.memory_space<semaphore_mem>>)
      %dma_wait3A = arith.constant 0 : i32
      %dma_wait3A_19 = tpu.memref_slice %arg5[%arg0, %multiple_of3A, %dma_wait3A] : memref<2x10240x8xf32, #tpu.memory_space<hbm>> -> memref<1x640x8xf32, #tpu.memory_space<hbm>>
      %dma_wait3A_20 = tpu.memref_squeeze %dma_wait3A_19 : memref<1x640x8xf32, #tpu.memory_space<hbm>> -> memref<640x8xf32, #tpu.memory_space<hbm>>
      %dma_wait3A_21 = arith.constant 0 : i32
      %dma_wait3A_22 = tpu.memref_slice %arg8[%multiple_of3A, %dma_wait3A_21] : memref<10240x8xf32, #tpu.memory_space<vmem_shared>> -> memref<640x8xf32, #tpu.memory_space<vmem_shared>>
      tpu.wait_dma2 semaphore(%run_scoped3A : memref<!tpu.dma_semaphore, #tpu.memory_space<semaphore_mem>>) src(%dma_wait3A_22 : memref<640x8xf32, #tpu.memory_space<vmem_shared>>) dst(%dma_wait3A_20 : memref<640x8xf32, #tpu.memory_space<hbm>>)
      tpu.yield
    }) : () -> ()
    return
  }
}

#map = affine_map<(d0, d1) -> (0, 0)>
#map1 = affine_map<(d0, d1) -> (0, 0, 0)>
module attributes {stable_mosaic.version = 14 : i64} {
  func.func @_agg_body(%arg0: i32, %arg1: i32, %arg2: memref<2x323584xi32, #tpu.memory_space<hbm>>, %arg3: memref<10000x128xbf16, #tpu.memory_space<hbm>>, %arg4: memref<2x10240x64xbf16, #tpu.memory_space<hbm>>, %arg5: memref<6x2x128xi32, #tpu.memory_space<vmem>>, %arg6: memref<4x128x64xbf16, #tpu.memory_space<vmem>>, %arg7: memref<10000x64xbf16, #tpu.memory_space<vmem_shared>>, %arg8: memref<10240x64xbf16, #tpu.memory_space<vmem_shared>>, %arg9: memref<!tpu.dma_semaphore, #tpu.memory_space<semaphore_mem>>, %arg10: memref<!tpu.dma_semaphore, #tpu.memory_space<semaphore_mem>>, %arg11: memref<!tpu.dma_semaphore, #tpu.memory_space<semaphore_mem>>) attributes {dimension_semantics = [#tpu.dimension_semantics<core_parallel>, #tpu.dimension_semantics<subcore_parallel>], iteration_bounds = array<i64: 2, 16>, scalar_prefetch = 0 : i64, scratch_operands = 7 : i64, tpu.core_type = #tpu.core_type<sc_vector_subcore>, window_params = [{transform_indices = #map}, {transform_indices = #map}, {transform_indices = #map1}]} {
    %mul3A = arith.constant 640 : i32
    %mul3A_0 = arith.muli %arg1, %mul3A : i32
    %multiple_of3A = tpu.assume_multiple %mul3A_0, 8 : i32
    %mul3A_1 = arith.constant 64 : i32
    %mul3A_2 = arith.muli %arg0, %mul3A_1 : i32
    %scan3A = arith.constant 0 : i32
    %scan3A_3 = arith.constant 0 : i32
    %scan3A_4 = arith.constant 256 : i32
    %scan3A_5 = arith.addi %scan3A_3, %scan3A_4 : i32
    %scan3A_6 = arith.constant 1 : i32
    scf.for %scan3A_33 = %scan3A_3 to %scan3A_5 step %scan3A_6  : i32 {
      %jit3A = arith.constant 2 : i32
      %div3A = arith.divsi %scan3A_33, %jit3A : i32
      %sign3A = arith.constant 0 : i32
      %sign3A_34 = arith.cmpi sgt, %scan3A_33, %sign3A : i32
      %sign3A_35 = arith.extui %sign3A_34 : i1 to i32
      %sign3A_36 = arith.constant 0 : i32
      %sign3A_37 = arith.cmpi slt, %scan3A_33, %sign3A_36 : i32
      %sign3A_38 = arith.extui %sign3A_37 : i1 to i32
      %sign3A_39 = arith.subi %sign3A_35, %sign3A_38 : i32
      %sign3A_40 = arith.constant 0 : i32
      %sign3A_41 = arith.cmpi sgt, %jit3A, %sign3A_40 : i32
      %sign3A_42 = arith.extui %sign3A_41 : i1 to i32
      %sign3A_43 = arith.constant 0 : i32
      %sign3A_44 = arith.cmpi slt, %jit3A, %sign3A_43 : i32
      %sign3A_45 = arith.extui %sign3A_44 : i1 to i32
      %sign3A_46 = arith.subi %sign3A_42, %sign3A_45 : i32
      %ne3A = arith.cmpi ne, %sign3A_39, %sign3A_46 : i32
      %rem3A = arith.remsi %scan3A_33, %jit3A : i32
      %ne3A_47 = arith.constant 0 : i32
      %ne3A_48 = arith.cmpi ne, %rem3A, %ne3A_47 : i32
      %and3A = arith.andi %ne3A, %ne3A_48 : i1
      %sub3A = arith.constant 1 : i32
      %sub3A_49 = arith.subi %div3A, %sub3A : i32
      %select_n3A = arith.select %and3A, %sub3A_49, %div3A : i32
      %rem3A_50 = arith.constant 2 : i32
      %rem3A_51 = arith.remsi %scan3A_33, %rem3A_50 : i32
      %broadcast_in_dim3A = arith.constant 0.000000e+00 : bf16
      %broadcast_in_dim3A_52 = vector.broadcast %broadcast_in_dim3A : bf16 to vector<32xbf16>
      %mul3A_53 = arith.constant 32 : i32
      %mul3A_54 = arith.muli %rem3A_51, %mul3A_53 : i32
      %multiple_of3A_55 = tpu.assume_multiple %mul3A_54, 32 : i32
      %swap3A = arith.constant 0 : i32
      %swap3A_56 = arith.index_cast %swap3A : i32 to index
      %swap3A_57 = arith.index_cast %select_n3A : i32 to index
      %swap3A_58 = arith.index_cast %multiple_of3A_55 : i32 to index
      %swap3A_59 = tpu.vector_load %arg6[%swap3A_56, %swap3A_57, %swap3A_58] {strides = array<i32>} : memref<4x128x64xbf16, #tpu.memory_space<vmem>>, vector<1x1x32xbf16>,
      %swap3A_60 = vector.shape_cast %swap3A_59 : vector<1x1x32xbf16> to vector<32xbf16>
      %swap3A_61 = vector.shape_cast %broadcast_in_dim3A_52 : vector<32xbf16> to vector<1x1x32xbf16>
      tpu.vector_store %arg6[%swap3A_56, %swap3A_57, %swap3A_58], %swap3A_61 {strides = array<i32>} : memref<4x128x64xbf16, #tpu.memory_space<vmem>>, vector<1x1x32xbf16>,
    }
    %scan3A_7 = arith.constant 256 : i32
    %scan3A_8 = arith.constant 0 : i32
    %scan3A_9 = arith.constant 0 : i32
    %scan3A_10 = arith.constant 5 : i32
    %scan3A_11 = arith.addi %scan3A_9, %scan3A_10 : i32
    %scan3A_12 = arith.constant 1 : i32
    scf.for %scan3A_33 = %scan3A_9 to %scan3A_11 step %scan3A_12  : i32 {
      %mul3A_34 = arith.constant 128 : i32
      %mul3A_35 = arith.muli %scan3A_33, %mul3A_34 : i32
      %add3A = arith.addi %multiple_of3A, %mul3A_35 : i32
      %multiple_of3A_36 = tpu.assume_multiple %add3A, 8 : i32
      %run_scoped3A = arith.constant 0 : i32
      "tpu.region"() ({
        %run_scoped3A_37 = tpu.sem_alloc : memref<!tpu.dma_semaphore, #tpu.memory_space<semaphore_mem>>
        %dma_start3A = arith.constant 0 : i32
        %dma_start3A_38 = arith.constant 0 : i32
        %dma_start3A_39 = tpu.memref_slice %arg6[%run_scoped3A, %dma_start3A, %dma_start3A_38] : memref<4x128x64xbf16, #tpu.memory_space<vmem>> -> memref<1x128x64xbf16, #tpu.memory_space<vmem>>
        %dma_start3A_40 = tpu.memref_squeeze %dma_start3A_39 : memref<1x128x64xbf16, #tpu.memory_space<vmem>> -> memref<128x64xbf16, #tpu.memory_space<vmem>>
        %dma_start3A_41 = arith.constant 0 : i32
        %dma_start3A_42 = tpu.memref_slice %arg8[%multiple_of3A_36, %dma_start3A_41] : memref<10240x64xbf16, #tpu.memory_space<vmem_shared>> -> memref<128x64xbf16, #tpu.memory_space<vmem_shared>>
        %dma_start3A_43 = arith.constant 0 : i32
        %dma_start3A_44 = tpu.memref_slice %arg8[%multiple_of3A_36, %dma_start3A_43] : memref<10240x64xbf16, #tpu.memory_space<vmem_shared>> -> memref<128x64xbf16, #tpu.memory_space<vmem_shared>>
        %dma_start3A_45 = arith.constant 0 : i32
        %dma_start3A_46 = arith.constant 0 : i32
        %dma_start3A_47 = tpu.memref_slice %arg6[%run_scoped3A, %dma_start3A_45, %dma_start3A_46] : memref<4x128x64xbf16, #tpu.memory_space<vmem>> -> memref<1x128x64xbf16, #tpu.memory_space<vmem>>
        %dma_start3A_48 = tpu.memref_squeeze %dma_start3A_47 : memref<1x128x64xbf16, #tpu.memory_space<vmem>> -> memref<128x64xbf16, #tpu.memory_space<vmem>>
        tpu.enqueue_dma source(%dma_start3A_48 : memref<128x64xbf16, #tpu.memory_space<vmem>>) target(%dma_start3A_44 : memref<128x64xbf16, #tpu.memory_space<vmem_shared>>) target_semaphore(%run_scoped3A_37 : memref<!tpu.dma_semaphore, #tpu.memory_space<semaphore_mem>>)
        %dma_wait3A = arith.constant 0 : i32
        %dma_wait3A_49 = arith.constant 0 : i32
        %dma_wait3A_50 = tpu.memref_slice %arg6[%run_scoped3A, %dma_wait3A, %dma_wait3A_49] : memref<4x128x64xbf16, #tpu.memory_space<vmem>> -> memref<1x128x64xbf16, #tpu.memory_space<vmem>>
        %dma_wait3A_51 = tpu.memref_squeeze %dma_wait3A_50 : memref<1x128x64xbf16, #tpu.memory_space<vmem>> -> memref<128x64xbf16, #tpu.memory_space<vmem>>
        %dma_wait3A_52 = arith.constant 0 : i32
        %dma_wait3A_53 = tpu.memref_slice %arg8[%multiple_of3A_36, %dma_wait3A_52] : memref<10240x64xbf16, #tpu.memory_space<vmem_shared>> -> memref<128x64xbf16, #tpu.memory_space<vmem_shared>>
        %dma_wait3A_54 = arith.constant 0 : i32
        %dma_wait3A_55 = tpu.memref_slice %arg8[%multiple_of3A_36, %dma_wait3A_54] : memref<10240x64xbf16, #tpu.memory_space<vmem_shared>> -> memref<128x64xbf16, #tpu.memory_space<vmem_shared>>
        %dma_wait3A_56 = arith.constant 0 : i32
        %dma_wait3A_57 = arith.constant 0 : i32
        %dma_wait3A_58 = tpu.memref_slice %arg6[%run_scoped3A, %dma_wait3A_56, %dma_wait3A_57] : memref<4x128x64xbf16, #tpu.memory_space<vmem>> -> memref<1x128x64xbf16, #tpu.memory_space<vmem>>
        %dma_wait3A_59 = tpu.memref_squeeze %dma_wait3A_58 : memref<1x128x64xbf16, #tpu.memory_space<vmem>> -> memref<128x64xbf16, #tpu.memory_space<vmem>>
        tpu.wait_dma2 semaphore(%run_scoped3A_37 : memref<!tpu.dma_semaphore, #tpu.memory_space<semaphore_mem>>) src(%dma_wait3A_59 : memref<128x64xbf16, #tpu.memory_space<vmem>>) dst(%dma_wait3A_55 : memref<128x64xbf16, #tpu.memory_space<vmem_shared>>)
        tpu.yield
      }) : () -> ()
    }
    %scan3A_13 = arith.constant 5 : i32
    %lt3A = arith.constant 15 : i32
    %lt3A_14 = arith.cmpi slt, %arg1, %lt3A : i32
    %convert_element_type3A = arith.extui %lt3A_14 : i1 to i32
    %cond3A = arith.constant 0 : i32
    %cond3A_15 = arith.cmpi ne, %convert_element_type3A, %cond3A : i32
    scf.if %cond3A_15 {
      %mul3A_33 = arith.constant 640 : i32
      %mul3A_34 = arith.muli %arg1, %mul3A_33 : i32
      %multiple_of3A_35 = tpu.assume_multiple %mul3A_34, 8 : i32
      "tpu.region"() ({
        %run_scoped3A = tpu.sem_alloc : memref<!tpu.dma_semaphore, #tpu.memory_space<semaphore_mem>>
        %dma_start3A = arith.constant 0 : i32
        %dma_start3A_36 = tpu.memref_slice %arg7[%multiple_of3A_35, %dma_start3A] : memref<10000x64xbf16, #tpu.memory_space<vmem_shared>> -> memref<640x64xbf16, #tpu.memory_space<vmem_shared>>
        %dma_start3A_37 = tpu.memref_slice %arg3[%multiple_of3A_35, %mul3A_2] : memref<10000x128xbf16, #tpu.memory_space<hbm>> -> memref<640x64xbf16, #tpu.memory_space<hbm>>
        tpu.enqueue_dma source(%dma_start3A_37 : memref<640x64xbf16, #tpu.memory_space<hbm>>) target(%dma_start3A_36 : memref<640x64xbf16, #tpu.memory_space<vmem_shared>>) target_semaphore(%run_scoped3A : memref<!tpu.dma_semaphore, #tpu.memory_space<semaphore_mem>>)
        %dma_wait3A = arith.constant 0 : i32
        %dma_wait3A_38 = tpu.memref_slice %arg7[%multiple_of3A_35, %dma_wait3A] : memref<10000x64xbf16, #tpu.memory_space<vmem_shared>> -> memref<640x64xbf16, #tpu.memory_space<vmem_shared>>
        %dma_wait3A_39 = tpu.memref_slice %arg3[%multiple_of3A_35, %mul3A_2] : memref<10000x128xbf16, #tpu.memory_space<hbm>> -> memref<640x64xbf16, #tpu.memory_space<hbm>>
        tpu.wait_dma2 semaphore(%run_scoped3A : memref<!tpu.dma_semaphore, #tpu.memory_space<semaphore_mem>>) src(%dma_wait3A_39 : memref<640x64xbf16, #tpu.memory_space<hbm>>) dst(%dma_wait3A_38 : memref<640x64xbf16, #tpu.memory_space<vmem_shared>>)
        tpu.yield
      }) : () -> ()
    } else {
    }
    %eq3A = arith.constant 15 : i32
    %eq3A_16 = arith.cmpi eq, %arg1, %eq3A : i32
    %convert_element_type3A_17 = arith.extui %eq3A_16 : i1 to i32
    %cond3A_18 = arith.constant 0 : i32
    %cond3A_19 = arith.cmpi ne, %convert_element_type3A_17, %cond3A_18 : i32
    scf.if %cond3A_19 {
      "tpu.region"() ({
        %run_scoped3A = tpu.sem_alloc : memref<!tpu.dma_semaphore, #tpu.memory_space<semaphore_mem>>
        %dma_start3A = arith.constant 9600 : i32
        %dma_start3A_33 = arith.constant 0 : i32
        %dma_start3A_34 = tpu.memref_slice %arg7[%dma_start3A, %dma_start3A_33] : memref<10000x64xbf16, #tpu.memory_space<vmem_shared>> -> memref<400x64xbf16, #tpu.memory_space<vmem_shared>>
        %dma_start3A_35 = arith.constant 9600 : i32
        %dma_start3A_36 = tpu.memref_slice %arg3[%dma_start3A_35, %mul3A_2] : memref<10000x128xbf16, #tpu.memory_space<hbm>> -> memref<400x64xbf16, #tpu.memory_space<hbm>>
        tpu.enqueue_dma source(%dma_start3A_36 : memref<400x64xbf16, #tpu.memory_space<hbm>>) target(%dma_start3A_34 : memref<400x64xbf16, #tpu.memory_space<vmem_shared>>) target_semaphore(%run_scoped3A : memref<!tpu.dma_semaphore, #tpu.memory_space<semaphore_mem>>)
        %dma_wait3A = arith.constant 9600 : i32
        %dma_wait3A_37 = arith.constant 0 : i32
        %dma_wait3A_38 = tpu.memref_slice %arg7[%dma_wait3A, %dma_wait3A_37] : memref<10000x64xbf16, #tpu.memory_space<vmem_shared>> -> memref<400x64xbf16, #tpu.memory_space<vmem_shared>>
        %dma_wait3A_39 = arith.constant 9600 : i32
        %dma_wait3A_40 = tpu.memref_slice %arg3[%dma_wait3A_39, %mul3A_2] : memref<10000x128xbf16, #tpu.memory_space<hbm>> -> memref<400x64xbf16, #tpu.memory_space<hbm>>
        tpu.wait_dma2 semaphore(%run_scoped3A : memref<!tpu.dma_semaphore, #tpu.memory_space<semaphore_mem>>) src(%dma_wait3A_40 : memref<400x64xbf16, #tpu.memory_space<hbm>>) dst(%dma_wait3A_38 : memref<400x64xbf16, #tpu.memory_space<vmem_shared>>)
        tpu.yield
      }) : () -> ()
    } else {
    }
    %barrier3A = arith.constant 0 : index
    tpu.barrier barrier_id(%barrier3A)
    %scan3A_20 = arith.constant 0 : i32
    %scan3A_21 = arith.constant 0 : i32
    %scan3A_22 = arith.constant 160 : i32
    %scan3A_23 = arith.addi %scan3A_21, %scan3A_22 : i32
    %scan3A_24 = arith.constant 1 : i32
    scf.for %scan3A_33 = %scan3A_21 to %scan3A_23 step %scan3A_24  : i32 {
      %ge3A = arith.constant 6 : i32
      %ge3A_34 = arith.cmpi sge, %scan3A_33, %ge3A : i32
      %sub3A = arith.constant 6 : i32
      %sub3A_35 = arith.subi %scan3A_33, %sub3A : i32
      %lt3A_36 = arith.constant 158 : i32
      %lt3A_37 = arith.cmpi slt, %sub3A_35, %lt3A_36 : i32
      %and3A = arith.andi %ge3A_34, %lt3A_37 : i1
      %convert_element_type3A_38 = arith.extui %and3A : i1 to i32
      %cond3A_39 = arith.constant 0 : i32
      %cond3A_40 = arith.cmpi ne, %convert_element_type3A_38, %cond3A_39 : i32
      scf.if %cond3A_40 {
        %sub3A_66 = arith.constant 6 : i32
        %sub3A_67 = arith.subi %scan3A_33, %sub3A_66 : i32
        %rem3A = arith.constant 4 : i32
        %rem3A_68 = arith.remsi %sub3A_67, %rem3A : i32
        %rem3A_69 = arith.constant 6 : i32
        %rem3A_70 = arith.remsi %sub3A_67, %rem3A_69 : i32
        %dma_wait3A = arith.constant 1 : i32
        %dma_wait3A_71 = arith.constant 0 : i32
        %dma_wait3A_72 = arith.constant 0 : i32
        %dma_wait3A_73 = tpu.memref_slice %arg6[%rem3A_68, %dma_wait3A_71, %dma_wait3A_72] : memref<4x128x64xbf16, #tpu.memory_space<vmem>> -> memref<1x128x64xbf16, #tpu.memory_space<vmem>>
        %dma_wait3A_74 = tpu.memref_squeeze %dma_wait3A_73 : memref<1x128x64xbf16, #tpu.memory_space<vmem>> -> memref<128x64xbf16, #tpu.memory_space<vmem>>
        %dma_wait3A_75 = arith.constant 0 : i32
        %dma_wait3A_76 = tpu.memref_slice %arg5[%rem3A_70, %dma_wait3A, %dma_wait3A_75] : memref<6x2x128xi32, #tpu.memory_space<vmem>> -> memref<1x1x128xi32, #tpu.memory_space<vmem>>
        %dma_wait3A_77 = tpu.memref_squeeze %dma_wait3A_76 : memref<1x1x128xi32, #tpu.memory_space<vmem>> -> memref<128xi32, #tpu.memory_space<vmem>>
        %dma_wait3A_78 = arith.constant 0 : i32
        %dma_wait3A_79 = arith.constant 0 : i32
        %dma_wait3A_80 = tpu.memref_slice %arg8[%dma_wait3A_78, %dma_wait3A_79] : memref<10240x64xbf16, #tpu.memory_space<vmem_shared>> -> memref<10240x64xbf16, #tpu.memory_space<vmem_shared>>
        tpu.wait_indirect_dma semaphore(%arg11 : memref<!tpu.dma_semaphore, #tpu.memory_space<semaphore_mem>>) src(%dma_wait3A_74 : memref<128x64xbf16, #tpu.memory_space<vmem>>) dst(%dma_wait3A_80 : memref<10240x64xbf16, #tpu.memory_space<vmem_shared>>)
      } else {
      }
      %lt3A_41 = arith.constant 158 : i32
      %lt3A_42 = arith.cmpi slt, %scan3A_33, %lt3A_41 : i32
      %convert_element_type3A_43 = arith.extui %lt3A_42 : i1 to i32
      %cond3A_44 = arith.constant 0 : i32
      %cond3A_45 = arith.cmpi ne, %convert_element_type3A_43, %cond3A_44 : i32
      scf.if %cond3A_45 {
        %mul3A_66 = arith.constant 158 : i32
        %mul3A_67 = arith.muli %arg1, %mul3A_66 : i32
        %add3A = arith.addi %mul3A_67, %scan3A_33 : i32
        %mul3A_68 = arith.constant 128 : i32
        %mul3A_69 = arith.muli %add3A, %mul3A_68 : i32
        %multiple_of3A_70 = tpu.assume_multiple %mul3A_69, 128 : i32
        %rem3A = arith.constant 6 : i32
        %rem3A_71 = arith.remsi %scan3A_33, %rem3A : i32
        %dma_start3A = arith.constant 0 : i32
        %dma_start3A_72 = arith.constant 0 : i32
        %dma_start3A_73 = tpu.memref_slice %arg5[%rem3A_71, %dma_start3A, %dma_start3A_72] : memref<6x2x128xi32, #tpu.memory_space<vmem>> -> memref<1x2x128xi32, #tpu.memory_space<vmem>>
        %dma_start3A_74 = tpu.memref_squeeze %dma_start3A_73 : memref<1x2x128xi32, #tpu.memory_space<vmem>> -> memref<2x128xi32, #tpu.memory_space<vmem>>
        %dma_start3A_75 = arith.constant 0 : i32
        %dma_start3A_76 = tpu.memref_slice %arg2[%dma_start3A_75, %multiple_of3A_70] : memref<2x323584xi32, #tpu.memory_space<hbm>> -> memref<2x128xi32, #tpu.memory_space<hbm>>
        %dma_start3A_77 = arith.constant 0 : i32
        %dma_start3A_78 = arith.constant 0 : i32
        %dma_start3A_79 = tpu.memref_slice %arg5[%rem3A_71, %dma_start3A_77, %dma_start3A_78] : memref<6x2x128xi32, #tpu.memory_space<vmem>> -> memref<1x2x128xi32, #tpu.memory_space<vmem>>
        %dma_start3A_80 = tpu.memref_squeeze %dma_start3A_79 : memref<1x2x128xi32, #tpu.memory_space<vmem>> -> memref<2x128xi32, #tpu.memory_space<vmem>>
        %dma_start3A_81 = arith.constant 0 : i32
        %dma_start3A_82 = tpu.memref_slice %arg2[%dma_start3A_81, %multiple_of3A_70] : memref<2x323584xi32, #tpu.memory_space<hbm>> -> memref<2x128xi32, #tpu.memory_space<hbm>>
        tpu.enqueue_dma source(%dma_start3A_82 : memref<2x128xi32, #tpu.memory_space<hbm>>) target(%dma_start3A_80 : memref<2x128xi32, #tpu.memory_space<vmem>>) target_semaphore(%arg9 : memref<!tpu.dma_semaphore, #tpu.memory_space<semaphore_mem>>)
      } else {
      }
      %ge3A_46 = arith.constant 1 : i32
      %ge3A_47 = arith.cmpi sge, %scan3A_33, %ge3A_46 : i32
      %sub3A_48 = arith.constant 1 : i32
      %sub3A_49 = arith.subi %scan3A_33, %sub3A_48 : i32
      %lt3A_50 = arith.constant 158 : i32
      %lt3A_51 = arith.cmpi slt, %sub3A_49, %lt3A_50 : i32
      %and3A_52 = arith.andi %ge3A_47, %lt3A_51 : i1
      %convert_element_type3A_53 = arith.extui %and3A_52 : i1 to i32
      %cond3A_54 = arith.constant 0 : i32
      %cond3A_55 = arith.cmpi ne, %convert_element_type3A_53, %cond3A_54 : i32
      scf.if %cond3A_55 {
        %sub3A_66 = arith.constant 1 : i32
        %sub3A_67 = arith.subi %scan3A_33, %sub3A_66 : i32
        %rem3A = arith.constant 4 : i32
        %rem3A_68 = arith.remsi %sub3A_67, %rem3A : i32
        %sub3A_69 = arith.constant 1 : i32
        %sub3A_70 = arith.subi %scan3A_33, %sub3A_69 : i32
        %rem3A_71 = arith.constant 6 : i32
        %rem3A_72 = arith.remsi %sub3A_70, %rem3A_71 : i32
        %dma_wait3A = arith.constant 0 : i32
        %dma_wait3A_73 = arith.constant 0 : i32
        %dma_wait3A_74 = tpu.memref_slice %arg5[%rem3A_72, %dma_wait3A, %dma_wait3A_73] : memref<6x2x128xi32, #tpu.memory_space<vmem>> -> memref<1x2x128xi32, #tpu.memory_space<vmem>>
        %dma_wait3A_75 = tpu.memref_squeeze %dma_wait3A_74 : memref<1x2x128xi32, #tpu.memory_space<vmem>> -> memref<2x128xi32, #tpu.memory_space<vmem>>
        %dma_wait3A_76 = arith.constant 0 : i32
        %dma_wait3A_77 = arith.constant 0 : i32
        %dma_wait3A_78 = tpu.memref_slice %arg2[%dma_wait3A_76, %dma_wait3A_77] : memref<2x323584xi32, #tpu.memory_space<hbm>> -> memref<2x128xi32, #tpu.memory_space<hbm>>
        %dma_wait3A_79 = arith.constant 0 : i32
        %dma_wait3A_80 = arith.constant 0 : i32
        %dma_wait3A_81 = tpu.memref_slice %arg5[%rem3A_72, %dma_wait3A_79, %dma_wait3A_80] : memref<6x2x128xi32, #tpu.memory_space<vmem>> -> memref<1x2x128xi32, #tpu.memory_space<vmem>>
        %dma_wait3A_82 = tpu.memref_squeeze %dma_wait3A_81 : memref<1x2x128xi32, #tpu.memory_space<vmem>> -> memref<2x128xi32, #tpu.memory_space<vmem>>
        %dma_wait3A_83 = arith.constant 0 : i32
        %dma_wait3A_84 = arith.constant 0 : i32
        %dma_wait3A_85 = tpu.memref_slice %arg2[%dma_wait3A_83, %dma_wait3A_84] : memref<2x323584xi32, #tpu.memory_space<hbm>> -> memref<2x128xi32, #tpu.memory_space<hbm>>
        tpu.wait_dma2 semaphore(%arg9 : memref<!tpu.dma_semaphore, #tpu.memory_space<semaphore_mem>>) src(%dma_wait3A_85 : memref<2x128xi32, #tpu.memory_space<hbm>>) dst(%dma_wait3A_82 : memref<2x128xi32, #tpu.memory_space<vmem>>)
        %dma_start3A = arith.constant 0 : i32
        %dma_start3A_86 = arith.constant 0 : i32
        %dma_start3A_87 = arith.constant 0 : i32
        %dma_start3A_88 = tpu.memref_slice %arg6[%rem3A_68, %dma_start3A_86, %dma_start3A_87] : memref<4x128x64xbf16, #tpu.memory_space<vmem>> -> memref<1x128x64xbf16, #tpu.memory_space<vmem>>
        %dma_start3A_89 = tpu.memref_squeeze %dma_start3A_88 : memref<1x128x64xbf16, #tpu.memory_space<vmem>> -> memref<128x64xbf16, #tpu.memory_space<vmem>>
        %dma_start3A_90 = arith.constant 0 : i32
        %dma_start3A_91 = tpu.memref_slice %arg5[%rem3A_72, %dma_start3A, %dma_start3A_90] : memref<6x2x128xi32, #tpu.memory_space<vmem>> -> memref<1x1x128xi32, #tpu.memory_space<vmem>>
        %dma_start3A_92 = tpu.memref_squeeze %dma_start3A_91 : memref<1x1x128xi32, #tpu.memory_space<vmem>> -> memref<128xi32, #tpu.memory_space<vmem>>
        %dma_start3A_93 = arith.constant 0 : i32
        %dma_start3A_94 = arith.constant 0 : i32
        %dma_start3A_95 = tpu.memref_slice %arg7[%dma_start3A_93, %dma_start3A_94] : memref<10000x64xbf16, #tpu.memory_space<vmem_shared>> -> memref<10000x64xbf16, #tpu.memory_space<vmem_shared>>
        tpu.enqueue_indirect_dma source(%dma_start3A_95 : memref<10000x64xbf16, #tpu.memory_space<vmem_shared>>) target(%dma_start3A_89 : memref<128x64xbf16, #tpu.memory_space<vmem>>) offsets(%dma_start3A_92 : memref<128xi32, #tpu.memory_space<vmem>>) semaphore(%arg10 : memref<!tpu.dma_semaphore, #tpu.memory_space<semaphore_mem>>)
      } else {
      }
      %ge3A_56 = arith.constant 2 : i32
      %ge3A_57 = arith.cmpi sge, %scan3A_33, %ge3A_56 : i32
      %sub3A_58 = arith.constant 2 : i32
      %sub3A_59 = arith.subi %scan3A_33, %sub3A_58 : i32
      %lt3A_60 = arith.constant 158 : i32
      %lt3A_61 = arith.cmpi slt, %sub3A_59, %lt3A_60 : i32
      %and3A_62 = arith.andi %ge3A_57, %lt3A_61 : i1
      %convert_element_type3A_63 = arith.extui %and3A_62 : i1 to i32
      %cond3A_64 = arith.constant 0 : i32
      %cond3A_65 = arith.cmpi ne, %convert_element_type3A_63, %cond3A_64 : i32
      scf.if %cond3A_65 {
        %sub3A_66 = arith.constant 2 : i32
        %sub3A_67 = arith.subi %scan3A_33, %sub3A_66 : i32
        %rem3A = arith.constant 4 : i32
        %rem3A_68 = arith.remsi %sub3A_67, %rem3A : i32
        %sub3A_69 = arith.constant 2 : i32
        %sub3A_70 = arith.subi %scan3A_33, %sub3A_69 : i32
        %rem3A_71 = arith.constant 6 : i32
        %rem3A_72 = arith.remsi %sub3A_70, %rem3A_71 : i32
        %dma_wait3A = arith.constant 0 : i32
        %dma_wait3A_73 = arith.constant 0 : i32
        %dma_wait3A_74 = arith.constant 0 : i32
        %dma_wait3A_75 = tpu.memref_slice %arg6[%rem3A_68, %dma_wait3A_73, %dma_wait3A_74] : memref<4x128x64xbf16, #tpu.memory_space<vmem>> -> memref<1x128x64xbf16, #tpu.memory_space<vmem>>
        %dma_wait3A_76 = tpu.memref_squeeze %dma_wait3A_75 : memref<1x128x64xbf16, #tpu.memory_space<vmem>> -> memref<128x64xbf16, #tpu.memory_space<vmem>>
        %dma_wait3A_77 = arith.constant 0 : i32
        %dma_wait3A_78 = tpu.memref_slice %arg5[%rem3A_72, %dma_wait3A, %dma_wait3A_77] : memref<6x2x128xi32, #tpu.memory_space<vmem>> -> memref<1x1x128xi32, #tpu.memory_space<vmem>>
        %dma_wait3A_79 = tpu.memref_squeeze %dma_wait3A_78 : memref<1x1x128xi32, #tpu.memory_space<vmem>> -> memref<128xi32, #tpu.memory_space<vmem>>
        %dma_wait3A_80 = arith.constant 0 : i32
        %dma_wait3A_81 = arith.constant 0 : i32
        %dma_wait3A_82 = tpu.memref_slice %arg7[%dma_wait3A_80, %dma_wait3A_81] : memref<10000x64xbf16, #tpu.memory_space<vmem_shared>> -> memref<10000x64xbf16, #tpu.memory_space<vmem_shared>>
        tpu.wait_indirect_dma semaphore(%arg10 : memref<!tpu.dma_semaphore, #tpu.memory_space<semaphore_mem>>) src(%dma_wait3A_82 : memref<10000x64xbf16, #tpu.memory_space<vmem_shared>>) dst(%dma_wait3A_76 : memref<128x64xbf16, #tpu.memory_space<vmem>>)
        %dma_start3A = arith.constant 1 : i32
        %dma_start3A_83 = arith.constant 0 : i32
        %dma_start3A_84 = arith.constant 0 : i32
        %dma_start3A_85 = tpu.memref_slice %arg6[%rem3A_68, %dma_start3A_83, %dma_start3A_84] : memref<4x128x64xbf16, #tpu.memory_space<vmem>> -> memref<1x128x64xbf16, #tpu.memory_space<vmem>>
        %dma_start3A_86 = tpu.memref_squeeze %dma_start3A_85 : memref<1x128x64xbf16, #tpu.memory_space<vmem>> -> memref<128x64xbf16, #tpu.memory_space<vmem>>
        %dma_start3A_87 = arith.constant 0 : i32
        %dma_start3A_88 = tpu.memref_slice %arg5[%rem3A_72, %dma_start3A, %dma_start3A_87] : memref<6x2x128xi32, #tpu.memory_space<vmem>> -> memref<1x1x128xi32, #tpu.memory_space<vmem>>
        %dma_start3A_89 = tpu.memref_squeeze %dma_start3A_88 : memref<1x1x128xi32, #tpu.memory_space<vmem>> -> memref<128xi32, #tpu.memory_space<vmem>>
        %dma_start3A_90 = arith.constant 0 : i32
        %dma_start3A_91 = arith.constant 0 : i32
        %dma_start3A_92 = tpu.memref_slice %arg8[%dma_start3A_90, %dma_start3A_91] : memref<10240x64xbf16, #tpu.memory_space<vmem_shared>> -> memref<10240x64xbf16, #tpu.memory_space<vmem_shared>>
        tpu.enqueue_indirect_dma source(%dma_start3A_86 : memref<128x64xbf16, #tpu.memory_space<vmem>>) target(%dma_start3A_92 : memref<10240x64xbf16, #tpu.memory_space<vmem_shared>>) offsets(%dma_start3A_89 : memref<128xi32, #tpu.memory_space<vmem>>) semaphore(%arg11 : memref<!tpu.dma_semaphore, #tpu.memory_space<semaphore_mem>>) {add = true}
      } else {
      }
    }
    %scan3A_25 = arith.constant 160 : i32
    %scan3A_26 = arith.constant 0 : i32
    %scan3A_27 = arith.constant 154 : i32
    %scan3A_28 = arith.constant 4 : i32
    %scan3A_29 = arith.addi %scan3A_27, %scan3A_28 : i32
    %scan3A_30 = arith.constant 1 : i32
    scf.for %scan3A_33 = %scan3A_27 to %scan3A_29 step %scan3A_30  : i32 {
      %rem3A = arith.constant 4 : i32
      %rem3A_34 = arith.remsi %scan3A_33, %rem3A : i32
      %rem3A_35 = arith.constant 6 : i32
      %rem3A_36 = arith.remsi %scan3A_33, %rem3A_35 : i32
      %dma_wait3A = arith.constant 1 : i32
      %dma_wait3A_37 = arith.constant 0 : i32
      %dma_wait3A_38 = arith.constant 0 : i32
      %dma_wait3A_39 = tpu.memref_slice %arg6[%rem3A_34, %dma_wait3A_37, %dma_wait3A_38] : memref<4x128x64xbf16, #tpu.memory_space<vmem>> -> memref<1x128x64xbf16, #tpu.memory_space<vmem>>
      %dma_wait3A_40 = tpu.memref_squeeze %dma_wait3A_39 : memref<1x128x64xbf16, #tpu.memory_space<vmem>> -> memref<128x64xbf16, #tpu.memory_space<vmem>>
      %dma_wait3A_41 = arith.constant 0 : i32
      %dma_wait3A_42 = tpu.memref_slice %arg5[%rem3A_36, %dma_wait3A, %dma_wait3A_41] : memref<6x2x128xi32, #tpu.memory_space<vmem>> -> memref<1x1x128xi32, #tpu.memory_space<vmem>>
      %dma_wait3A_43 = tpu.memref_squeeze %dma_wait3A_42 : memref<1x1x128xi32, #tpu.memory_space<vmem>> -> memref<128xi32, #tpu.memory_space<vmem>>
      %dma_wait3A_44 = arith.constant 0 : i32
      %dma_wait3A_45 = arith.constant 0 : i32
      %dma_wait3A_46 = tpu.memref_slice %arg8[%dma_wait3A_44, %dma_wait3A_45] : memref<10240x64xbf16, #tpu.memory_space<vmem_shared>> -> memref<10240x64xbf16, #tpu.memory_space<vmem_shared>>
      tpu.wait_indirect_dma semaphore(%arg11 : memref<!tpu.dma_semaphore, #tpu.memory_space<semaphore_mem>>) src(%dma_wait3A_40 : memref<128x64xbf16, #tpu.memory_space<vmem>>) dst(%dma_wait3A_46 : memref<10240x64xbf16, #tpu.memory_space<vmem_shared>>)
    }
    %scan3A_31 = arith.constant 4 : i32
    %barrier3A_32 = arith.constant 0 : index
    tpu.barrier barrier_id(%barrier3A_32)
    "tpu.region"() ({
      %run_scoped3A = tpu.sem_alloc : memref<!tpu.dma_semaphore, #tpu.memory_space<semaphore_mem>>
      %dma_start3A = arith.constant 0 : i32
      %dma_start3A_33 = tpu.memref_slice %arg4[%arg0, %multiple_of3A, %dma_start3A] : memref<2x10240x64xbf16, #tpu.memory_space<hbm>> -> memref<1x640x64xbf16, #tpu.memory_space<hbm>>
      %dma_start3A_34 = tpu.memref_squeeze %dma_start3A_33 : memref<1x640x64xbf16, #tpu.memory_space<hbm>> -> memref<640x64xbf16, #tpu.memory_space<hbm>>
      %dma_start3A_35 = arith.constant 0 : i32
      %dma_start3A_36 = tpu.memref_slice %arg8[%multiple_of3A, %dma_start3A_35] : memref<10240x64xbf16, #tpu.memory_space<vmem_shared>> -> memref<640x64xbf16, #tpu.memory_space<vmem_shared>>
      tpu.enqueue_dma source(%dma_start3A_36 : memref<640x64xbf16, #tpu.memory_space<vmem_shared>>) target(%dma_start3A_34 : memref<640x64xbf16, #tpu.memory_space<hbm>>) target_semaphore(%run_scoped3A : memref<!tpu.dma_semaphore, #tpu.memory_space<semaphore_mem>>)
      %dma_wait3A = arith.constant 0 : i32
      %dma_wait3A_37 = tpu.memref_slice %arg4[%arg0, %multiple_of3A, %dma_wait3A] : memref<2x10240x64xbf16, #tpu.memory_space<hbm>> -> memref<1x640x64xbf16, #tpu.memory_space<hbm>>
      %dma_wait3A_38 = tpu.memref_squeeze %dma_wait3A_37 : memref<1x640x64xbf16, #tpu.memory_space<hbm>> -> memref<640x64xbf16, #tpu.memory_space<hbm>>
      %dma_wait3A_39 = arith.constant 0 : i32
      %dma_wait3A_40 = tpu.memref_slice %arg8[%multiple_of3A, %dma_wait3A_39] : memref<10240x64xbf16, #tpu.memory_space<vmem_shared>> -> memref<640x64xbf16, #tpu.memory_space<vmem_shared>>
      tpu.wait_dma2 semaphore(%run_scoped3A : memref<!tpu.dma_semaphore, #tpu.memory_space<semaphore_mem>>) src(%dma_wait3A_40 : memref<640x64xbf16, #tpu.memory_space<vmem_shared>>) dst(%dma_wait3A_38 : memref<640x64xbf16, #tpu.memory_space<hbm>>)
      tpu.yield
    }) : () -> ()
    return
  }
}

#map = affine_map<(d0, d1) -> (0, 0)>
#map1 = affine_map<(d0, d1) -> (0, 0, 0)>
module attributes {stable_mosaic.version = 14 : i64} {
  func.func @_agg_body(%arg0: i32, %arg1: i32, %arg2: memref<2x323584xi32, #tpu.memory_space<hbm>>, %arg3: memref<10000x64xbf16, #tpu.memory_space<hbm>>, %arg4: memref<2x10240x32xbf16, #tpu.memory_space<hbm>>, %arg5: memref<8x2x128xi32, #tpu.memory_space<vmem>>, %arg6: memref<6x128x32xbf16, #tpu.memory_space<vmem>>, %arg7: memref<10000x32xbf16, #tpu.memory_space<vmem_shared>>, %arg8: memref<10240x32xbf16, #tpu.memory_space<vmem_shared>>, %arg9: memref<!tpu.dma_semaphore, #tpu.memory_space<semaphore_mem>>, %arg10: memref<!tpu.dma_semaphore, #tpu.memory_space<semaphore_mem>>, %arg11: memref<!tpu.dma_semaphore, #tpu.memory_space<semaphore_mem>>) attributes {dimension_semantics = [#tpu.dimension_semantics<core_parallel>, #tpu.dimension_semantics<subcore_parallel>], iteration_bounds = array<i64: 2, 16>, scalar_prefetch = 0 : i64, scratch_operands = 7 : i64, tpu.core_type = #tpu.core_type<sc_vector_subcore>, window_params = [{transform_indices = #map}, {transform_indices = #map}, {transform_indices = #map1}]} {
    %mul3A = arith.constant 640 : i32
    %mul3A_0 = arith.muli %arg1, %mul3A : i32
    %multiple_of3A = tpu.assume_multiple %mul3A_0, 8 : i32
    %mul3A_1 = arith.constant 32 : i32
    %mul3A_2 = arith.muli %arg0, %mul3A_1 : i32
    %scan3A = arith.constant 0 : i32
    %scan3A_3 = arith.constant 0 : i32
    %scan3A_4 = arith.constant 128 : i32
    %scan3A_5 = arith.addi %scan3A_3, %scan3A_4 : i32
    %scan3A_6 = arith.constant 1 : i32
    scf.for %scan3A_33 = %scan3A_3 to %scan3A_5 step %scan3A_6  : i32 {
      %jit3A = arith.constant 1 : i32
      %div3A = arith.divsi %scan3A_33, %jit3A : i32
      %sign3A = arith.constant 0 : i32
      %sign3A_34 = arith.cmpi sgt, %scan3A_33, %sign3A : i32
      %sign3A_35 = arith.extui %sign3A_34 : i1 to i32
      %sign3A_36 = arith.constant 0 : i32
      %sign3A_37 = arith.cmpi slt, %scan3A_33, %sign3A_36 : i32
      %sign3A_38 = arith.extui %sign3A_37 : i1 to i32
      %sign3A_39 = arith.subi %sign3A_35, %sign3A_38 : i32
      %sign3A_40 = arith.constant 0 : i32
      %sign3A_41 = arith.cmpi sgt, %jit3A, %sign3A_40 : i32
      %sign3A_42 = arith.extui %sign3A_41 : i1 to i32
      %sign3A_43 = arith.constant 0 : i32
      %sign3A_44 = arith.cmpi slt, %jit3A, %sign3A_43 : i32
      %sign3A_45 = arith.extui %sign3A_44 : i1 to i32
      %sign3A_46 = arith.subi %sign3A_42, %sign3A_45 : i32
      %ne3A = arith.cmpi ne, %sign3A_39, %sign3A_46 : i32
      %rem3A = arith.remsi %scan3A_33, %jit3A : i32
      %ne3A_47 = arith.constant 0 : i32
      %ne3A_48 = arith.cmpi ne, %rem3A, %ne3A_47 : i32
      %and3A = arith.andi %ne3A, %ne3A_48 : i1
      %sub3A = arith.constant 1 : i32
      %sub3A_49 = arith.subi %div3A, %sub3A : i32
      %select_n3A = arith.select %and3A, %sub3A_49, %div3A : i32
      %rem3A_50 = arith.constant 1 : i32
      %rem3A_51 = arith.remsi %scan3A_33, %rem3A_50 : i32
      %broadcast_in_dim3A = arith.constant 0.000000e+00 : bf16
      %broadcast_in_dim3A_52 = vector.broadcast %broadcast_in_dim3A : bf16 to vector<32xbf16>
      %mul3A_53 = arith.constant 32 : i32
      %mul3A_54 = arith.muli %rem3A_51, %mul3A_53 : i32
      %multiple_of3A_55 = tpu.assume_multiple %mul3A_54, 32 : i32
      %swap3A = arith.constant 0 : i32
      %swap3A_56 = arith.index_cast %swap3A : i32 to index
      %swap3A_57 = arith.index_cast %select_n3A : i32 to index
      %swap3A_58 = arith.index_cast %multiple_of3A_55 : i32 to index
      %swap3A_59 = tpu.vector_load %arg6[%swap3A_56, %swap3A_57, %swap3A_58] {strides = array<i32>} : memref<6x128x32xbf16, #tpu.memory_space<vmem>>, vector<1x1x32xbf16>,
      %swap3A_60 = vector.shape_cast %swap3A_59 : vector<1x1x32xbf16> to vector<32xbf16>
      %swap3A_61 = vector.shape_cast %broadcast_in_dim3A_52 : vector<32xbf16> to vector<1x1x32xbf16>
      tpu.vector_store %arg6[%swap3A_56, %swap3A_57, %swap3A_58], %swap3A_61 {strides = array<i32>} : memref<6x128x32xbf16, #tpu.memory_space<vmem>>, vector<1x1x32xbf16>,
    }
    %scan3A_7 = arith.constant 128 : i32
    %scan3A_8 = arith.constant 0 : i32
    %scan3A_9 = arith.constant 0 : i32
    %scan3A_10 = arith.constant 5 : i32
    %scan3A_11 = arith.addi %scan3A_9, %scan3A_10 : i32
    %scan3A_12 = arith.constant 1 : i32
    scf.for %scan3A_33 = %scan3A_9 to %scan3A_11 step %scan3A_12  : i32 {
      %mul3A_34 = arith.constant 128 : i32
      %mul3A_35 = arith.muli %scan3A_33, %mul3A_34 : i32
      %add3A = arith.addi %multiple_of3A, %mul3A_35 : i32
      %multiple_of3A_36 = tpu.assume_multiple %add3A, 8 : i32
      %run_scoped3A = arith.constant 0 : i32
      "tpu.region"() ({
        %run_scoped3A_37 = tpu.sem_alloc : memref<!tpu.dma_semaphore, #tpu.memory_space<semaphore_mem>>
        %dma_start3A = arith.constant 0 : i32
        %dma_start3A_38 = arith.constant 0 : i32
        %dma_start3A_39 = tpu.memref_slice %arg6[%run_scoped3A, %dma_start3A, %dma_start3A_38] : memref<6x128x32xbf16, #tpu.memory_space<vmem>> -> memref<1x128x32xbf16, #tpu.memory_space<vmem>>
        %dma_start3A_40 = tpu.memref_squeeze %dma_start3A_39 : memref<1x128x32xbf16, #tpu.memory_space<vmem>> -> memref<128x32xbf16, #tpu.memory_space<vmem>>
        %dma_start3A_41 = arith.constant 0 : i32
        %dma_start3A_42 = tpu.memref_slice %arg8[%multiple_of3A_36, %dma_start3A_41] : memref<10240x32xbf16, #tpu.memory_space<vmem_shared>> -> memref<128x32xbf16, #tpu.memory_space<vmem_shared>>
        %dma_start3A_43 = arith.constant 0 : i32
        %dma_start3A_44 = tpu.memref_slice %arg8[%multiple_of3A_36, %dma_start3A_43] : memref<10240x32xbf16, #tpu.memory_space<vmem_shared>> -> memref<128x32xbf16, #tpu.memory_space<vmem_shared>>
        %dma_start3A_45 = arith.constant 0 : i32
        %dma_start3A_46 = arith.constant 0 : i32
        %dma_start3A_47 = tpu.memref_slice %arg6[%run_scoped3A, %dma_start3A_45, %dma_start3A_46] : memref<6x128x32xbf16, #tpu.memory_space<vmem>> -> memref<1x128x32xbf16, #tpu.memory_space<vmem>>
        %dma_start3A_48 = tpu.memref_squeeze %dma_start3A_47 : memref<1x128x32xbf16, #tpu.memory_space<vmem>> -> memref<128x32xbf16, #tpu.memory_space<vmem>>
        tpu.enqueue_dma source(%dma_start3A_48 : memref<128x32xbf16, #tpu.memory_space<vmem>>) target(%dma_start3A_44 : memref<128x32xbf16, #tpu.memory_space<vmem_shared>>) target_semaphore(%run_scoped3A_37 : memref<!tpu.dma_semaphore, #tpu.memory_space<semaphore_mem>>)
        %dma_wait3A = arith.constant 0 : i32
        %dma_wait3A_49 = arith.constant 0 : i32
        %dma_wait3A_50 = tpu.memref_slice %arg6[%run_scoped3A, %dma_wait3A, %dma_wait3A_49] : memref<6x128x32xbf16, #tpu.memory_space<vmem>> -> memref<1x128x32xbf16, #tpu.memory_space<vmem>>
        %dma_wait3A_51 = tpu.memref_squeeze %dma_wait3A_50 : memref<1x128x32xbf16, #tpu.memory_space<vmem>> -> memref<128x32xbf16, #tpu.memory_space<vmem>>
        %dma_wait3A_52 = arith.constant 0 : i32
        %dma_wait3A_53 = tpu.memref_slice %arg8[%multiple_of3A_36, %dma_wait3A_52] : memref<10240x32xbf16, #tpu.memory_space<vmem_shared>> -> memref<128x32xbf16, #tpu.memory_space<vmem_shared>>
        %dma_wait3A_54 = arith.constant 0 : i32
        %dma_wait3A_55 = tpu.memref_slice %arg8[%multiple_of3A_36, %dma_wait3A_54] : memref<10240x32xbf16, #tpu.memory_space<vmem_shared>> -> memref<128x32xbf16, #tpu.memory_space<vmem_shared>>
        %dma_wait3A_56 = arith.constant 0 : i32
        %dma_wait3A_57 = arith.constant 0 : i32
        %dma_wait3A_58 = tpu.memref_slice %arg6[%run_scoped3A, %dma_wait3A_56, %dma_wait3A_57] : memref<6x128x32xbf16, #tpu.memory_space<vmem>> -> memref<1x128x32xbf16, #tpu.memory_space<vmem>>
        %dma_wait3A_59 = tpu.memref_squeeze %dma_wait3A_58 : memref<1x128x32xbf16, #tpu.memory_space<vmem>> -> memref<128x32xbf16, #tpu.memory_space<vmem>>
        tpu.wait_dma2 semaphore(%run_scoped3A_37 : memref<!tpu.dma_semaphore, #tpu.memory_space<semaphore_mem>>) src(%dma_wait3A_59 : memref<128x32xbf16, #tpu.memory_space<vmem>>) dst(%dma_wait3A_55 : memref<128x32xbf16, #tpu.memory_space<vmem_shared>>)
        tpu.yield
      }) : () -> ()
    }
    %scan3A_13 = arith.constant 5 : i32
    %lt3A = arith.constant 15 : i32
    %lt3A_14 = arith.cmpi slt, %arg1, %lt3A : i32
    %convert_element_type3A = arith.extui %lt3A_14 : i1 to i32
    %cond3A = arith.constant 0 : i32
    %cond3A_15 = arith.cmpi ne, %convert_element_type3A, %cond3A : i32
    scf.if %cond3A_15 {
      %mul3A_33 = arith.constant 640 : i32
      %mul3A_34 = arith.muli %arg1, %mul3A_33 : i32
      %multiple_of3A_35 = tpu.assume_multiple %mul3A_34, 8 : i32
      "tpu.region"() ({
        %run_scoped3A = tpu.sem_alloc : memref<!tpu.dma_semaphore, #tpu.memory_space<semaphore_mem>>
        %dma_start3A = arith.constant 0 : i32
        %dma_start3A_36 = tpu.memref_slice %arg7[%multiple_of3A_35, %dma_start3A] : memref<10000x32xbf16, #tpu.memory_space<vmem_shared>> -> memref<640x32xbf16, #tpu.memory_space<vmem_shared>>
        %dma_start3A_37 = tpu.memref_slice %arg3[%multiple_of3A_35, %mul3A_2] : memref<10000x64xbf16, #tpu.memory_space<hbm>> -> memref<640x32xbf16, #tpu.memory_space<hbm>>
        tpu.enqueue_dma source(%dma_start3A_37 : memref<640x32xbf16, #tpu.memory_space<hbm>>) target(%dma_start3A_36 : memref<640x32xbf16, #tpu.memory_space<vmem_shared>>) target_semaphore(%run_scoped3A : memref<!tpu.dma_semaphore, #tpu.memory_space<semaphore_mem>>)
        %dma_wait3A = arith.constant 0 : i32
        %dma_wait3A_38 = tpu.memref_slice %arg7[%multiple_of3A_35, %dma_wait3A] : memref<10000x32xbf16, #tpu.memory_space<vmem_shared>> -> memref<640x32xbf16, #tpu.memory_space<vmem_shared>>
        %dma_wait3A_39 = tpu.memref_slice %arg3[%multiple_of3A_35, %mul3A_2] : memref<10000x64xbf16, #tpu.memory_space<hbm>> -> memref<640x32xbf16, #tpu.memory_space<hbm>>
        tpu.wait_dma2 semaphore(%run_scoped3A : memref<!tpu.dma_semaphore, #tpu.memory_space<semaphore_mem>>) src(%dma_wait3A_39 : memref<640x32xbf16, #tpu.memory_space<hbm>>) dst(%dma_wait3A_38 : memref<640x32xbf16, #tpu.memory_space<vmem_shared>>)
        tpu.yield
      }) : () -> ()
    } else {
    }
    %eq3A = arith.constant 15 : i32
    %eq3A_16 = arith.cmpi eq, %arg1, %eq3A : i32
    %convert_element_type3A_17 = arith.extui %eq3A_16 : i1 to i32
    %cond3A_18 = arith.constant 0 : i32
    %cond3A_19 = arith.cmpi ne, %convert_element_type3A_17, %cond3A_18 : i32
    scf.if %cond3A_19 {
      "tpu.region"() ({
        %run_scoped3A = tpu.sem_alloc : memref<!tpu.dma_semaphore, #tpu.memory_space<semaphore_mem>>
        %dma_start3A = arith.constant 9600 : i32
        %dma_start3A_33 = arith.constant 0 : i32
        %dma_start3A_34 = tpu.memref_slice %arg7[%dma_start3A, %dma_start3A_33] : memref<10000x32xbf16, #tpu.memory_space<vmem_shared>> -> memref<400x32xbf16, #tpu.memory_space<vmem_shared>>
        %dma_start3A_35 = arith.constant 9600 : i32
        %dma_start3A_36 = tpu.memref_slice %arg3[%dma_start3A_35, %mul3A_2] : memref<10000x64xbf16, #tpu.memory_space<hbm>> -> memref<400x32xbf16, #tpu.memory_space<hbm>>
        tpu.enqueue_dma source(%dma_start3A_36 : memref<400x32xbf16, #tpu.memory_space<hbm>>) target(%dma_start3A_34 : memref<400x32xbf16, #tpu.memory_space<vmem_shared>>) target_semaphore(%run_scoped3A : memref<!tpu.dma_semaphore, #tpu.memory_space<semaphore_mem>>)
        %dma_wait3A = arith.constant 9600 : i32
        %dma_wait3A_37 = arith.constant 0 : i32
        %dma_wait3A_38 = tpu.memref_slice %arg7[%dma_wait3A, %dma_wait3A_37] : memref<10000x32xbf16, #tpu.memory_space<vmem_shared>> -> memref<400x32xbf16, #tpu.memory_space<vmem_shared>>
        %dma_wait3A_39 = arith.constant 9600 : i32
        %dma_wait3A_40 = tpu.memref_slice %arg3[%dma_wait3A_39, %mul3A_2] : memref<10000x64xbf16, #tpu.memory_space<hbm>> -> memref<400x32xbf16, #tpu.memory_space<hbm>>
        tpu.wait_dma2 semaphore(%run_scoped3A : memref<!tpu.dma_semaphore, #tpu.memory_space<semaphore_mem>>) src(%dma_wait3A_40 : memref<400x32xbf16, #tpu.memory_space<hbm>>) dst(%dma_wait3A_38 : memref<400x32xbf16, #tpu.memory_space<vmem_shared>>)
        tpu.yield
      }) : () -> ()
    } else {
    }
    %barrier3A = arith.constant 0 : index
    tpu.barrier barrier_id(%barrier3A)
    %scan3A_20 = arith.constant 0 : i32
    %scan3A_21 = arith.constant 0 : i32
    %scan3A_22 = arith.constant 160 : i32
    %scan3A_23 = arith.addi %scan3A_21, %scan3A_22 : i32
    %scan3A_24 = arith.constant 1 : i32
    scf.for %scan3A_33 = %scan3A_21 to %scan3A_23 step %scan3A_24  : i32 {
      %ge3A = arith.constant 8 : i32
      %ge3A_34 = arith.cmpi sge, %scan3A_33, %ge3A : i32
      %sub3A = arith.constant 8 : i32
      %sub3A_35 = arith.subi %scan3A_33, %sub3A : i32
      %lt3A_36 = arith.constant 158 : i32
      %lt3A_37 = arith.cmpi slt, %sub3A_35, %lt3A_36 : i32
      %and3A = arith.andi %ge3A_34, %lt3A_37 : i1
      %convert_element_type3A_38 = arith.extui %and3A : i1 to i32
      %cond3A_39 = arith.constant 0 : i32
      %cond3A_40 = arith.cmpi ne, %convert_element_type3A_38, %cond3A_39 : i32
      scf.if %cond3A_40 {
        %sub3A_66 = arith.constant 8 : i32
        %sub3A_67 = arith.subi %scan3A_33, %sub3A_66 : i32
        %rem3A = arith.constant 6 : i32
        %rem3A_68 = arith.remsi %sub3A_67, %rem3A : i32
        %rem3A_69 = arith.constant 8 : i32
        %rem3A_70 = arith.remsi %sub3A_67, %rem3A_69 : i32
        %dma_wait3A = arith.constant 1 : i32
        %dma_wait3A_71 = arith.constant 0 : i32
        %dma_wait3A_72 = arith.constant 0 : i32
        %dma_wait3A_73 = tpu.memref_slice %arg6[%rem3A_68, %dma_wait3A_71, %dma_wait3A_72] : memref<6x128x32xbf16, #tpu.memory_space<vmem>> -> memref<1x128x32xbf16, #tpu.memory_space<vmem>>
        %dma_wait3A_74 = tpu.memref_squeeze %dma_wait3A_73 : memref<1x128x32xbf16, #tpu.memory_space<vmem>> -> memref<128x32xbf16, #tpu.memory_space<vmem>>
        %dma_wait3A_75 = arith.constant 0 : i32
        %dma_wait3A_76 = tpu.memref_slice %arg5[%rem3A_70, %dma_wait3A, %dma_wait3A_75] : memref<8x2x128xi32, #tpu.memory_space<vmem>> -> memref<1x1x128xi32, #tpu.memory_space<vmem>>
        %dma_wait3A_77 = tpu.memref_squeeze %dma_wait3A_76 : memref<1x1x128xi32, #tpu.memory_space<vmem>> -> memref<128xi32, #tpu.memory_space<vmem>>
        %dma_wait3A_78 = arith.constant 0 : i32
        %dma_wait3A_79 = arith.constant 0 : i32
        %dma_wait3A_80 = tpu.memref_slice %arg8[%dma_wait3A_78, %dma_wait3A_79] : memref<10240x32xbf16, #tpu.memory_space<vmem_shared>> -> memref<10240x32xbf16, #tpu.memory_space<vmem_shared>>
        tpu.wait_indirect_dma semaphore(%arg11 : memref<!tpu.dma_semaphore, #tpu.memory_space<semaphore_mem>>) src(%dma_wait3A_74 : memref<128x32xbf16, #tpu.memory_space<vmem>>) dst(%dma_wait3A_80 : memref<10240x32xbf16, #tpu.memory_space<vmem_shared>>)
      } else {
      }
      %lt3A_41 = arith.constant 158 : i32
      %lt3A_42 = arith.cmpi slt, %scan3A_33, %lt3A_41 : i32
      %convert_element_type3A_43 = arith.extui %lt3A_42 : i1 to i32
      %cond3A_44 = arith.constant 0 : i32
      %cond3A_45 = arith.cmpi ne, %convert_element_type3A_43, %cond3A_44 : i32
      scf.if %cond3A_45 {
        %mul3A_66 = arith.constant 158 : i32
        %mul3A_67 = arith.muli %arg1, %mul3A_66 : i32
        %add3A = arith.addi %mul3A_67, %scan3A_33 : i32
        %mul3A_68 = arith.constant 128 : i32
        %mul3A_69 = arith.muli %add3A, %mul3A_68 : i32
        %multiple_of3A_70 = tpu.assume_multiple %mul3A_69, 128 : i32
        %rem3A = arith.constant 8 : i32
        %rem3A_71 = arith.remsi %scan3A_33, %rem3A : i32
        %dma_start3A = arith.constant 0 : i32
        %dma_start3A_72 = arith.constant 0 : i32
        %dma_start3A_73 = tpu.memref_slice %arg5[%rem3A_71, %dma_start3A, %dma_start3A_72] : memref<8x2x128xi32, #tpu.memory_space<vmem>> -> memref<1x2x128xi32, #tpu.memory_space<vmem>>
        %dma_start3A_74 = tpu.memref_squeeze %dma_start3A_73 : memref<1x2x128xi32, #tpu.memory_space<vmem>> -> memref<2x128xi32, #tpu.memory_space<vmem>>
        %dma_start3A_75 = arith.constant 0 : i32
        %dma_start3A_76 = tpu.memref_slice %arg2[%dma_start3A_75, %multiple_of3A_70] : memref<2x323584xi32, #tpu.memory_space<hbm>> -> memref<2x128xi32, #tpu.memory_space<hbm>>
        %dma_start3A_77 = arith.constant 0 : i32
        %dma_start3A_78 = arith.constant 0 : i32
        %dma_start3A_79 = tpu.memref_slice %arg5[%rem3A_71, %dma_start3A_77, %dma_start3A_78] : memref<8x2x128xi32, #tpu.memory_space<vmem>> -> memref<1x2x128xi32, #tpu.memory_space<vmem>>
        %dma_start3A_80 = tpu.memref_squeeze %dma_start3A_79 : memref<1x2x128xi32, #tpu.memory_space<vmem>> -> memref<2x128xi32, #tpu.memory_space<vmem>>
        %dma_start3A_81 = arith.constant 0 : i32
        %dma_start3A_82 = tpu.memref_slice %arg2[%dma_start3A_81, %multiple_of3A_70] : memref<2x323584xi32, #tpu.memory_space<hbm>> -> memref<2x128xi32, #tpu.memory_space<hbm>>
        tpu.enqueue_dma source(%dma_start3A_82 : memref<2x128xi32, #tpu.memory_space<hbm>>) target(%dma_start3A_80 : memref<2x128xi32, #tpu.memory_space<vmem>>) target_semaphore(%arg9 : memref<!tpu.dma_semaphore, #tpu.memory_space<semaphore_mem>>)
      } else {
      }
      %ge3A_46 = arith.constant 1 : i32
      %ge3A_47 = arith.cmpi sge, %scan3A_33, %ge3A_46 : i32
      %sub3A_48 = arith.constant 1 : i32
      %sub3A_49 = arith.subi %scan3A_33, %sub3A_48 : i32
      %lt3A_50 = arith.constant 158 : i32
      %lt3A_51 = arith.cmpi slt, %sub3A_49, %lt3A_50 : i32
      %and3A_52 = arith.andi %ge3A_47, %lt3A_51 : i1
      %convert_element_type3A_53 = arith.extui %and3A_52 : i1 to i32
      %cond3A_54 = arith.constant 0 : i32
      %cond3A_55 = arith.cmpi ne, %convert_element_type3A_53, %cond3A_54 : i32
      scf.if %cond3A_55 {
        %sub3A_66 = arith.constant 1 : i32
        %sub3A_67 = arith.subi %scan3A_33, %sub3A_66 : i32
        %rem3A = arith.constant 6 : i32
        %rem3A_68 = arith.remsi %sub3A_67, %rem3A : i32
        %sub3A_69 = arith.constant 1 : i32
        %sub3A_70 = arith.subi %scan3A_33, %sub3A_69 : i32
        %rem3A_71 = arith.constant 8 : i32
        %rem3A_72 = arith.remsi %sub3A_70, %rem3A_71 : i32
        %dma_wait3A = arith.constant 0 : i32
        %dma_wait3A_73 = arith.constant 0 : i32
        %dma_wait3A_74 = tpu.memref_slice %arg5[%rem3A_72, %dma_wait3A, %dma_wait3A_73] : memref<8x2x128xi32, #tpu.memory_space<vmem>> -> memref<1x2x128xi32, #tpu.memory_space<vmem>>
        %dma_wait3A_75 = tpu.memref_squeeze %dma_wait3A_74 : memref<1x2x128xi32, #tpu.memory_space<vmem>> -> memref<2x128xi32, #tpu.memory_space<vmem>>
        %dma_wait3A_76 = arith.constant 0 : i32
        %dma_wait3A_77 = arith.constant 0 : i32
        %dma_wait3A_78 = tpu.memref_slice %arg2[%dma_wait3A_76, %dma_wait3A_77] : memref<2x323584xi32, #tpu.memory_space<hbm>> -> memref<2x128xi32, #tpu.memory_space<hbm>>
        %dma_wait3A_79 = arith.constant 0 : i32
        %dma_wait3A_80 = arith.constant 0 : i32
        %dma_wait3A_81 = tpu.memref_slice %arg5[%rem3A_72, %dma_wait3A_79, %dma_wait3A_80] : memref<8x2x128xi32, #tpu.memory_space<vmem>> -> memref<1x2x128xi32, #tpu.memory_space<vmem>>
        %dma_wait3A_82 = tpu.memref_squeeze %dma_wait3A_81 : memref<1x2x128xi32, #tpu.memory_space<vmem>> -> memref<2x128xi32, #tpu.memory_space<vmem>>
        %dma_wait3A_83 = arith.constant 0 : i32
        %dma_wait3A_84 = arith.constant 0 : i32
        %dma_wait3A_85 = tpu.memref_slice %arg2[%dma_wait3A_83, %dma_wait3A_84] : memref<2x323584xi32, #tpu.memory_space<hbm>> -> memref<2x128xi32, #tpu.memory_space<hbm>>
        tpu.wait_dma2 semaphore(%arg9 : memref<!tpu.dma_semaphore, #tpu.memory_space<semaphore_mem>>) src(%dma_wait3A_85 : memref<2x128xi32, #tpu.memory_space<hbm>>) dst(%dma_wait3A_82 : memref<2x128xi32, #tpu.memory_space<vmem>>)
        %dma_start3A = arith.constant 0 : i32
        %dma_start3A_86 = arith.constant 0 : i32
        %dma_start3A_87 = arith.constant 0 : i32
        %dma_start3A_88 = tpu.memref_slice %arg6[%rem3A_68, %dma_start3A_86, %dma_start3A_87] : memref<6x128x32xbf16, #tpu.memory_space<vmem>> -> memref<1x128x32xbf16, #tpu.memory_space<vmem>>
        %dma_start3A_89 = tpu.memref_squeeze %dma_start3A_88 : memref<1x128x32xbf16, #tpu.memory_space<vmem>> -> memref<128x32xbf16, #tpu.memory_space<vmem>>
        %dma_start3A_90 = arith.constant 0 : i32
        %dma_start3A_91 = tpu.memref_slice %arg5[%rem3A_72, %dma_start3A, %dma_start3A_90] : memref<8x2x128xi32, #tpu.memory_space<vmem>> -> memref<1x1x128xi32, #tpu.memory_space<vmem>>
        %dma_start3A_92 = tpu.memref_squeeze %dma_start3A_91 : memref<1x1x128xi32, #tpu.memory_space<vmem>> -> memref<128xi32, #tpu.memory_space<vmem>>
        %dma_start3A_93 = arith.constant 0 : i32
        %dma_start3A_94 = arith.constant 0 : i32
        %dma_start3A_95 = tpu.memref_slice %arg7[%dma_start3A_93, %dma_start3A_94] : memref<10000x32xbf16, #tpu.memory_space<vmem_shared>> -> memref<10000x32xbf16, #tpu.memory_space<vmem_shared>>
        tpu.enqueue_indirect_dma source(%dma_start3A_95 : memref<10000x32xbf16, #tpu.memory_space<vmem_shared>>) target(%dma_start3A_89 : memref<128x32xbf16, #tpu.memory_space<vmem>>) offsets(%dma_start3A_92 : memref<128xi32, #tpu.memory_space<vmem>>) semaphore(%arg10 : memref<!tpu.dma_semaphore, #tpu.memory_space<semaphore_mem>>)
      } else {
      }
      %ge3A_56 = arith.constant 2 : i32
      %ge3A_57 = arith.cmpi sge, %scan3A_33, %ge3A_56 : i32
      %sub3A_58 = arith.constant 2 : i32
      %sub3A_59 = arith.subi %scan3A_33, %sub3A_58 : i32
      %lt3A_60 = arith.constant 158 : i32
      %lt3A_61 = arith.cmpi slt, %sub3A_59, %lt3A_60 : i32
      %and3A_62 = arith.andi %ge3A_57, %lt3A_61 : i1
      %convert_element_type3A_63 = arith.extui %and3A_62 : i1 to i32
      %cond3A_64 = arith.constant 0 : i32
      %cond3A_65 = arith.cmpi ne, %convert_element_type3A_63, %cond3A_64 : i32
      scf.if %cond3A_65 {
        %sub3A_66 = arith.constant 2 : i32
        %sub3A_67 = arith.subi %scan3A_33, %sub3A_66 : i32
        %rem3A = arith.constant 6 : i32
        %rem3A_68 = arith.remsi %sub3A_67, %rem3A : i32
        %sub3A_69 = arith.constant 2 : i32
        %sub3A_70 = arith.subi %scan3A_33, %sub3A_69 : i32
        %rem3A_71 = arith.constant 8 : i32
        %rem3A_72 = arith.remsi %sub3A_70, %rem3A_71 : i32
        %dma_wait3A = arith.constant 0 : i32
        %dma_wait3A_73 = arith.constant 0 : i32
        %dma_wait3A_74 = arith.constant 0 : i32
        %dma_wait3A_75 = tpu.memref_slice %arg6[%rem3A_68, %dma_wait3A_73, %dma_wait3A_74] : memref<6x128x32xbf16, #tpu.memory_space<vmem>> -> memref<1x128x32xbf16, #tpu.memory_space<vmem>>
        %dma_wait3A_76 = tpu.memref_squeeze %dma_wait3A_75 : memref<1x128x32xbf16, #tpu.memory_space<vmem>> -> memref<128x32xbf16, #tpu.memory_space<vmem>>
        %dma_wait3A_77 = arith.constant 0 : i32
        %dma_wait3A_78 = tpu.memref_slice %arg5[%rem3A_72, %dma_wait3A, %dma_wait3A_77] : memref<8x2x128xi32, #tpu.memory_space<vmem>> -> memref<1x1x128xi32, #tpu.memory_space<vmem>>
        %dma_wait3A_79 = tpu.memref_squeeze %dma_wait3A_78 : memref<1x1x128xi32, #tpu.memory_space<vmem>> -> memref<128xi32, #tpu.memory_space<vmem>>
        %dma_wait3A_80 = arith.constant 0 : i32
        %dma_wait3A_81 = arith.constant 0 : i32
        %dma_wait3A_82 = tpu.memref_slice %arg7[%dma_wait3A_80, %dma_wait3A_81] : memref<10000x32xbf16, #tpu.memory_space<vmem_shared>> -> memref<10000x32xbf16, #tpu.memory_space<vmem_shared>>
        tpu.wait_indirect_dma semaphore(%arg10 : memref<!tpu.dma_semaphore, #tpu.memory_space<semaphore_mem>>) src(%dma_wait3A_82 : memref<10000x32xbf16, #tpu.memory_space<vmem_shared>>) dst(%dma_wait3A_76 : memref<128x32xbf16, #tpu.memory_space<vmem>>)
        %dma_start3A = arith.constant 1 : i32
        %dma_start3A_83 = arith.constant 0 : i32
        %dma_start3A_84 = arith.constant 0 : i32
        %dma_start3A_85 = tpu.memref_slice %arg6[%rem3A_68, %dma_start3A_83, %dma_start3A_84] : memref<6x128x32xbf16, #tpu.memory_space<vmem>> -> memref<1x128x32xbf16, #tpu.memory_space<vmem>>
        %dma_start3A_86 = tpu.memref_squeeze %dma_start3A_85 : memref<1x128x32xbf16, #tpu.memory_space<vmem>> -> memref<128x32xbf16, #tpu.memory_space<vmem>>
        %dma_start3A_87 = arith.constant 0 : i32
        %dma_start3A_88 = tpu.memref_slice %arg5[%rem3A_72, %dma_start3A, %dma_start3A_87] : memref<8x2x128xi32, #tpu.memory_space<vmem>> -> memref<1x1x128xi32, #tpu.memory_space<vmem>>
        %dma_start3A_89 = tpu.memref_squeeze %dma_start3A_88 : memref<1x1x128xi32, #tpu.memory_space<vmem>> -> memref<128xi32, #tpu.memory_space<vmem>>
        %dma_start3A_90 = arith.constant 0 : i32
        %dma_start3A_91 = arith.constant 0 : i32
        %dma_start3A_92 = tpu.memref_slice %arg8[%dma_start3A_90, %dma_start3A_91] : memref<10240x32xbf16, #tpu.memory_space<vmem_shared>> -> memref<10240x32xbf16, #tpu.memory_space<vmem_shared>>
        tpu.enqueue_indirect_dma source(%dma_start3A_86 : memref<128x32xbf16, #tpu.memory_space<vmem>>) target(%dma_start3A_92 : memref<10240x32xbf16, #tpu.memory_space<vmem_shared>>) offsets(%dma_start3A_89 : memref<128xi32, #tpu.memory_space<vmem>>) semaphore(%arg11 : memref<!tpu.dma_semaphore, #tpu.memory_space<semaphore_mem>>) {add = true}
      } else {
      }
    }
    %scan3A_25 = arith.constant 160 : i32
    %scan3A_26 = arith.constant 0 : i32
    %scan3A_27 = arith.constant 152 : i32
    %scan3A_28 = arith.constant 6 : i32
    %scan3A_29 = arith.addi %scan3A_27, %scan3A_28 : i32
    %scan3A_30 = arith.constant 1 : i32
    scf.for %scan3A_33 = %scan3A_27 to %scan3A_29 step %scan3A_30  : i32 {
      %rem3A = arith.constant 6 : i32
      %rem3A_34 = arith.remsi %scan3A_33, %rem3A : i32
      %rem3A_35 = arith.constant 8 : i32
      %rem3A_36 = arith.remsi %scan3A_33, %rem3A_35 : i32
      %dma_wait3A = arith.constant 1 : i32
      %dma_wait3A_37 = arith.constant 0 : i32
      %dma_wait3A_38 = arith.constant 0 : i32
      %dma_wait3A_39 = tpu.memref_slice %arg6[%rem3A_34, %dma_wait3A_37, %dma_wait3A_38] : memref<6x128x32xbf16, #tpu.memory_space<vmem>> -> memref<1x128x32xbf16, #tpu.memory_space<vmem>>
      %dma_wait3A_40 = tpu.memref_squeeze %dma_wait3A_39 : memref<1x128x32xbf16, #tpu.memory_space<vmem>> -> memref<128x32xbf16, #tpu.memory_space<vmem>>
      %dma_wait3A_41 = arith.constant 0 : i32
      %dma_wait3A_42 = tpu.memref_slice %arg5[%rem3A_36, %dma_wait3A, %dma_wait3A_41] : memref<8x2x128xi32, #tpu.memory_space<vmem>> -> memref<1x1x128xi32, #tpu.memory_space<vmem>>
      %dma_wait3A_43 = tpu.memref_squeeze %dma_wait3A_42 : memref<1x1x128xi32, #tpu.memory_space<vmem>> -> memref<128xi32, #tpu.memory_space<vmem>>
      %dma_wait3A_44 = arith.constant 0 : i32
      %dma_wait3A_45 = arith.constant 0 : i32
      %dma_wait3A_46 = tpu.memref_slice %arg8[%dma_wait3A_44, %dma_wait3A_45] : memref<10240x32xbf16, #tpu.memory_space<vmem_shared>> -> memref<10240x32xbf16, #tpu.memory_space<vmem_shared>>
      tpu.wait_indirect_dma semaphore(%arg11 : memref<!tpu.dma_semaphore, #tpu.memory_space<semaphore_mem>>) src(%dma_wait3A_40 : memref<128x32xbf16, #tpu.memory_space<vmem>>) dst(%dma_wait3A_46 : memref<10240x32xbf16, #tpu.memory_space<vmem_shared>>)
    }
    %scan3A_31 = arith.constant 6 : i32
    %barrier3A_32 = arith.constant 0 : index
    tpu.barrier barrier_id(%barrier3A_32)
    "tpu.region"() ({
      %run_scoped3A = tpu.sem_alloc : memref<!tpu.dma_semaphore, #tpu.memory_space<semaphore_mem>>
      %dma_start3A = arith.constant 0 : i32
      %dma_start3A_33 = tpu.memref_slice %arg4[%arg0, %multiple_of3A, %dma_start3A] : memref<2x10240x32xbf16, #tpu.memory_space<hbm>> -> memref<1x640x32xbf16, #tpu.memory_space<hbm>>
      %dma_start3A_34 = tpu.memref_squeeze %dma_start3A_33 : memref<1x640x32xbf16, #tpu.memory_space<hbm>> -> memref<640x32xbf16, #tpu.memory_space<hbm>>
      %dma_start3A_35 = arith.constant 0 : i32
      %dma_start3A_36 = tpu.memref_slice %arg8[%multiple_of3A, %dma_start3A_35] : memref<10240x32xbf16, #tpu.memory_space<vmem_shared>> -> memref<640x32xbf16, #tpu.memory_space<vmem_shared>>
      tpu.enqueue_dma source(%dma_start3A_36 : memref<640x32xbf16, #tpu.memory_space<vmem_shared>>) target(%dma_start3A_34 : memref<640x32xbf16, #tpu.memory_space<hbm>>) target_semaphore(%run_scoped3A : memref<!tpu.dma_semaphore, #tpu.memory_space<semaphore_mem>>)
      %dma_wait3A = arith.constant 0 : i32
      %dma_wait3A_37 = tpu.memref_slice %arg4[%arg0, %multiple_of3A, %dma_wait3A] : memref<2x10240x32xbf16, #tpu.memory_space<hbm>> -> memref<1x640x32xbf16, #tpu.memory_space<hbm>>
      %dma_wait3A_38 = tpu.memref_squeeze %dma_wait3A_37 : memref<1x640x32xbf16, #tpu.memory_space<hbm>> -> memref<640x32xbf16, #tpu.memory_space<hbm>>
      %dma_wait3A_39 = arith.constant 0 : i32
      %dma_wait3A_40 = tpu.memref_slice %arg8[%multiple_of3A, %dma_wait3A_39] : memref<10240x32xbf16, #tpu.memory_space<vmem_shared>> -> memref<640x32xbf16, #tpu.memory_space<vmem_shared>>
      tpu.wait_dma2 semaphore(%run_scoped3A : memref<!tpu.dma_semaphore, #tpu.memory_space<semaphore_mem>>) src(%dma_wait3A_40 : memref<640x32xbf16, #tpu.memory_space<vmem_shared>>) dst(%dma_wait3A_38 : memref<640x32xbf16, #tpu.memory_space<hbm>>)
      tpu.yield
    }) : () -> ()
    return
  }
}

module attributes {stable_mosaic.version = 14 : i64} {
  func.func @_p1_body(%arg0: i32, %arg1: memref<1000x128xf32, #tpu.memory_space<vmem>>, %arg2: memref<128x128xf32, #tpu.memory_space<vmem>>, %arg3: memref<2x1000x8xf32, #tpu.memory_space<vmem>>, %arg4: memref<1000x128xbf16, #tpu.memory_space<vmem>>, %arg5: memref<1000x1xf32, #tpu.memory_space<vmem>>) attributes {dimension_semantics = [#tpu.dimension_semantics<arbitrary>], iteration_bounds = array<i64: 10>, scalar_prefetch = 0 : i64, scratch_operands = 0 : i64, tpu.core_type = #tpu.core_type<tc>, window_params = [{transform_indices = @transform_0, window_bounds = array<i64: 1000, 128>}, {pipeline_mode = #tpu.pipeline_mode<synchronous>, transform_indices = @transform_1, window_bounds = array<i64: 128, 128>}, {transform_indices = @transform_2, window_bounds = array<i64: 2, 1000, 8>}, {transform_indices = @transform_3, window_bounds = array<i64: 1000, 128>}, {transform_indices = @transform_4, window_bounds = array<i64: 1000, 1>}]} {
    %get3A = arith.constant 0 : index
    %get3A_0 = arith.constant 0 : index
    %get3A_1 = arith.constant 0 : index
    %get3A_2 = vector.load %arg3[%get3A, %get3A_0, %get3A_1] : memref<2x1000x8xf32, #tpu.memory_space<vmem>>, vector<1x1000x8xf32>
    %get3A_3 = vector.shape_cast %get3A_2 : vector<1x1000x8xf32> to vector<1000x8xf32>
    %get3A_4 = arith.constant 1 : index
    %get3A_5 = arith.constant 0 : index
    %get3A_6 = arith.constant 0 : index
    %get3A_7 = vector.load %arg3[%get3A_4, %get3A_5, %get3A_6] : memref<2x1000x8xf32, #tpu.memory_space<vmem>>, vector<1x1000x8xf32>
    %get3A_8 = vector.shape_cast %get3A_7 : vector<1x1000x8xf32> to vector<1000x8xf32>
    %add3A = arith.addf %get3A_3, %get3A_8 : vector<1000x8xf32>
    %reduce_sum3A = arith.constant dense<0.000000e+00> : vector<1000xf32>
    %reduce_sum3A_9 = vector.multi_reduction <add>, %add3A, %reduce_sum3A [1] : vector<1000x8xf32> to vector<1000xf32>
    %broadcast_in_dim3A = vector.shape_cast %reduce_sum3A_9 : vector<1000xf32> to vector<1000x1xf32>
    %mul3A = arith.constant 1.250000e-01 : f32
    %mul3A_10 = vector.broadcast %mul3A : f32 to vector<1000x1xf32>
    %mul3A_11 = arith.mulf %broadcast_in_dim3A, %mul3A_10 : vector<1000x1xf32>
    %add3A_12 = arith.constant 1.000000e+00 : f32
    %add3A_13 = vector.broadcast %add3A_12 : f32 to vector<1000x1xf32>
    %add3A_14 = arith.addf %mul3A_11, %add3A_13 : vector<1000x1xf32>
    %rsqrt3A = math.rsqrt %add3A_14 : vector<1000x1xf32>
    %get3A_15 = arith.constant 0 : index
    %get3A_16 = arith.constant 0 : index
    %get3A_17 = vector.load %arg1[%get3A_15, %get3A_16] : memref<1000x128xf32, #tpu.memory_space<vmem>>, vector<1000x128xf32>
    %get3A_18 = arith.constant 0 : index
    %get3A_19 = arith.constant 0 : index
    %get3A_20 = vector.load %arg2[%get3A_18, %get3A_19] : memref<128x128xf32, #tpu.memory_space<vmem>>, vector<128x128xf32>
    %dot_general3A = arith.constant dense<0.000000e+00> : vector<1000x128xf32>
    %dot_general3A_21 = tpu.matmul %get3A_17, %get3A_20, %dot_general3A {dimension_numbers = #tpu.dot_dimension_numbers<[1], [0], [0], [1], [0, 0, 1, 1], [], []>, transpose_lhs_hint = false} : vector<1000x128xf32>, vector<128x128xf32>, vector<1000x128xf32> -> vector<1000x128xf32>
    %mul3A_22 = vector.broadcast %rsqrt3A : vector<1000x1xf32> to vector<1000x128xf32>
    %mul3A_23 = arith.mulf %dot_general3A_21, %mul3A_22 : vector<1000x128xf32>
    %convert_element_type3A = arith.truncf %mul3A_23 : vector<1000x128xf32> to vector<1000x128xbf16>
    %swap3A = arith.constant 0 : index
    %swap3A_24 = arith.constant 0 : index
    %swap3A_25 = vector.load %arg4[%swap3A, %swap3A_24] : memref<1000x128xbf16, #tpu.memory_space<vmem>>, vector<1000x128xbf16>
    tpu.vector_store %arg4[%swap3A, %swap3A_24], %convert_element_type3A {strides = array<i32>} : memref<1000x128xbf16, #tpu.memory_space<vmem>>, vector<1000x128xbf16>,
    %swap3A_26 = arith.constant 0 : index
    %swap3A_27 = arith.constant 0 : index
    %swap3A_28 = vector.load %arg5[%swap3A_26, %swap3A_27] : memref<1000x1xf32, #tpu.memory_space<vmem>>, vector<1000x1xf32>
    tpu.vector_store %arg5[%swap3A_26, %swap3A_27], %rsqrt3A {strides = array<i32>} : memref<1000x1xf32, #tpu.memory_space<vmem>>, vector<1000x1xf32>,
    return
  }
  func.func @transform_0(%arg0: i32) -> (i32, i32) {
    %c0_i32 = arith.constant 0 : i32
    %c0_i32_0 = arith.constant 0 : i32
    return %arg0, %c0_i32 : i32, i32
  }
  func.func @transform_1(%arg0: i32) -> (i32, i32) {
    %c0_i32 = arith.constant 0 : i32
    %c0_i32_0 = arith.constant 0 : i32
    %c0_i32_1 = arith.constant 0 : i32
    return %c0_i32, %c0_i32_0 : i32, i32
  }
  func.func @transform_2(%arg0: i32) -> (i32, i32, i32) {
    %c0_i32 = arith.constant 0 : i32
    %c0_i32_0 = arith.constant 0 : i32
    %c0_i32_1 = arith.constant 0 : i32
    return %c0_i32, %arg0, %c0_i32_0 : i32, i32, i32
  }
  func.func @transform_3(%arg0: i32) -> (i32, i32) {
    %c0_i32 = arith.constant 0 : i32
    %c0_i32_0 = arith.constant 0 : i32
    return %arg0, %c0_i32 : i32, i32
  }
  func.func @transform_4(%arg0: i32) -> (i32, i32) {
    %c0_i32 = arith.constant 0 : i32
    %c0_i32_0 = arith.constant 0 : i32
    return %arg0, %c0_i32 : i32, i32
  }
}

module attributes {stable_mosaic.version = 14 : i64} {
  func.func @_p3_body(%arg0: i32, %arg1: memref<2x1000x64xbf16, #tpu.memory_space<vmem>>, %arg2: memref<1000x128xbf16, #tpu.memory_space<vmem>>, %arg3: memref<1000x1xf32, #tpu.memory_space<vmem>>, %arg4: memref<1x128xf32, #tpu.memory_space<vmem>>, %arg5: memref<128x64xf32, #tpu.memory_space<vmem>>, %arg6: memref<1000x64xbf16, #tpu.memory_space<vmem>>) attributes {dimension_semantics = [#tpu.dimension_semantics<arbitrary>], iteration_bounds = array<i64: 10>, scalar_prefetch = 0 : i64, scratch_operands = 0 : i64, tpu.core_type = #tpu.core_type<tc>, window_params = [{transform_indices = @transform_0, window_bounds = array<i64: 2, 1000, 64>}, {transform_indices = @transform_1, window_bounds = array<i64: 1000, 128>}, {transform_indices = @transform_2, window_bounds = array<i64: 1000, 1>}, {pipeline_mode = #tpu.pipeline_mode<synchronous>, transform_indices = @transform_3, window_bounds = array<i64: 1, 128>}, {pipeline_mode = #tpu.pipeline_mode<synchronous>, transform_indices = @transform_4, window_bounds = array<i64: 128, 64>}, {transform_indices = @transform_5, window_bounds = array<i64: 1000, 64>}]} {
    %get3A = arith.constant 0 : index
    %get3A_0 = arith.constant 0 : index
    %get3A_1 = arith.constant 0 : index
    %get3A_2 = vector.load %arg1[%get3A, %get3A_0, %get3A_1] : memref<2x1000x64xbf16, #tpu.memory_space<vmem>>, vector<1x1000x64xbf16>
    %get3A_3 = vector.shape_cast %get3A_2 : vector<1x1000x64xbf16> to vector<1000x64xbf16>
    %get3A_4 = arith.constant 1 : index
    %get3A_5 = arith.constant 0 : index
    %get3A_6 = arith.constant 0 : index
    %get3A_7 = vector.load %arg1[%get3A_4, %get3A_5, %get3A_6] : memref<2x1000x64xbf16, #tpu.memory_space<vmem>>, vector<1x1000x64xbf16>
    %get3A_8 = vector.shape_cast %get3A_7 : vector<1x1000x64xbf16> to vector<1000x64xbf16>
    %concatenate3A = tpu.concatenate %get3A_3, %get3A_8 in 1 : vector<1000x64xbf16>, vector<1000x64xbf16> -> vector<1000x128xbf16>
    %convert_element_type3A = arith.extf %concatenate3A : vector<1000x128xbf16> to vector<1000x128xf32>
    %get3A_9 = arith.constant 0 : index
    %get3A_10 = arith.constant 0 : index
    %get3A_11 = vector.load %arg3[%get3A_9, %get3A_10] : memref<1000x1xf32, #tpu.memory_space<vmem>>, vector<1000x1xf32>
    %get3A_12 = arith.constant 0 : index
    %get3A_13 = arith.constant 0 : index
    %get3A_14 = vector.load %arg2[%get3A_12, %get3A_13] : memref<1000x128xbf16, #tpu.memory_space<vmem>>, vector<1000x128xbf16>
    %convert_element_type3A_15 = arith.extf %get3A_14 : vector<1000x128xbf16> to vector<1000x128xf32>
    %add3A = arith.addf %convert_element_type3A, %convert_element_type3A_15 : vector<1000x128xf32>
    %mul3A = vector.broadcast %get3A_11 : vector<1000x1xf32> to vector<1000x128xf32>
    %mul3A_16 = arith.mulf %mul3A, %add3A : vector<1000x128xf32>
    %get3A_17 = arith.constant 0 : index
    %get3A_18 = arith.constant 0 : index
    %get3A_19 = vector.load %arg4[%get3A_17, %get3A_18] : memref<1x128xf32, #tpu.memory_space<vmem>>, vector<1x128xf32>
    %add3A_20 = vector.broadcast %get3A_19 : vector<1x128xf32> to vector<1000x128xf32>
    %add3A_21 = arith.addf %mul3A_16, %add3A_20 : vector<1000x128xf32>
    %max3A = arith.constant 0.000000e+00 : f32
    %max3A_22 = vector.broadcast %max3A : f32 to vector<1000x128xf32>
    %max3A_23 = arith.maximumf %add3A_21, %max3A_22 : vector<1000x128xf32>
    %get3A_24 = arith.constant 0 : index
    %get3A_25 = arith.constant 0 : index
    %get3A_26 = vector.load %arg5[%get3A_24, %get3A_25] : memref<128x64xf32, #tpu.memory_space<vmem>>, vector<128x64xf32>
    %dot_general3A = arith.constant dense<0.000000e+00> : vector<1000x64xf32>
    %dot_general3A_27 = tpu.matmul %max3A_23, %get3A_26, %dot_general3A {dimension_numbers = #tpu.dot_dimension_numbers<[1], [0], [0], [1], [0, 0, 1, 1], [], []>, transpose_lhs_hint = false} : vector<1000x128xf32>, vector<128x64xf32>, vector<1000x64xf32> -> vector<1000x64xf32>
    %mul3A_28 = vector.broadcast %get3A_11 : vector<1000x1xf32> to vector<1000x64xf32>
    %mul3A_29 = arith.mulf %dot_general3A_27, %mul3A_28 : vector<1000x64xf32>
    %convert_element_type3A_30 = arith.truncf %mul3A_29 : vector<1000x64xf32> to vector<1000x64xbf16>
    %swap3A = arith.constant 0 : index
    %swap3A_31 = arith.constant 0 : index
    %swap3A_32 = vector.load %arg6[%swap3A, %swap3A_31] : memref<1000x64xbf16, #tpu.memory_space<vmem>>, vector<1000x64xbf16>
    tpu.vector_store %arg6[%swap3A, %swap3A_31], %convert_element_type3A_30 {strides = array<i32>} : memref<1000x64xbf16, #tpu.memory_space<vmem>>, vector<1000x64xbf16>,
    return
  }
  func.func @transform_0(%arg0: i32) -> (i32, i32, i32) {
    %c0_i32 = arith.constant 0 : i32
    %c0_i32_0 = arith.constant 0 : i32
    %c0_i32_1 = arith.constant 0 : i32
    return %c0_i32, %arg0, %c0_i32_0 : i32, i32, i32
  }
  func.func @transform_1(%arg0: i32) -> (i32, i32) {
    %c0_i32 = arith.constant 0 : i32
    %c0_i32_0 = arith.constant 0 : i32
    return %arg0, %c0_i32 : i32, i32
  }
  func.func @transform_2(%arg0: i32) -> (i32, i32) {
    %c0_i32 = arith.constant 0 : i32
    %c0_i32_0 = arith.constant 0 : i32
    return %arg0, %c0_i32 : i32, i32
  }
  func.func @transform_3(%arg0: i32) -> (i32, i32) {
    %c0_i32 = arith.constant 0 : i32
    %c0_i32_0 = arith.constant 0 : i32
    %c0_i32_1 = arith.constant 0 : i32
    return %c0_i32, %c0_i32_0 : i32, i32
  }
  func.func @transform_4(%arg0: i32) -> (i32, i32) {
    %c0_i32 = arith.constant 0 : i32
    %c0_i32_0 = arith.constant 0 : i32
    %c0_i32_1 = arith.constant 0 : i32
    return %c0_i32, %c0_i32_0 : i32, i32
  }
  func.func @transform_5(%arg0: i32) -> (i32, i32) {
    %c0_i32 = arith.constant 0 : i32
    %c0_i32_0 = arith.constant 0 : i32
    return %arg0, %c0_i32 : i32, i32
  }
}

module attributes {stable_mosaic.version = 14 : i64} {
  func.func @_p5_body(%arg0: i32, %arg1: memref<2x1000x32xbf16, #tpu.memory_space<vmem>>, %arg2: memref<1000x64xbf16, #tpu.memory_space<vmem>>, %arg3: memref<1000x1xf32, #tpu.memory_space<vmem>>, %arg4: memref<1x64xf32, #tpu.memory_space<vmem>>, %arg5: memref<1000x40xf32, #tpu.memory_space<vmem>>) attributes {dimension_semantics = [#tpu.dimension_semantics<arbitrary>], iteration_bounds = array<i64: 10>, scalar_prefetch = 0 : i64, scratch_operands = 0 : i64, tpu.core_type = #tpu.core_type<tc>, window_params = [{transform_indices = @transform_0, window_bounds = array<i64: 2, 1000, 32>}, {transform_indices = @transform_1, window_bounds = array<i64: 1000, 64>}, {transform_indices = @transform_2, window_bounds = array<i64: 1000, 1>}, {pipeline_mode = #tpu.pipeline_mode<synchronous>, transform_indices = @transform_3, window_bounds = array<i64: 1, 64>}, {transform_indices = @transform_4, window_bounds = array<i64: 1000, 40>}]} {
    %get3A = arith.constant 0 : index
    %get3A_0 = arith.constant 0 : index
    %get3A_1 = arith.constant 0 : index
    %get3A_2 = vector.load %arg1[%get3A, %get3A_0, %get3A_1] : memref<2x1000x32xbf16, #tpu.memory_space<vmem>>, vector<1x1000x32xbf16>
    %get3A_3 = vector.shape_cast %get3A_2 : vector<1x1000x32xbf16> to vector<1000x32xbf16>
    %get3A_4 = arith.constant 1 : index
    %get3A_5 = arith.constant 0 : index
    %get3A_6 = arith.constant 0 : index
    %get3A_7 = vector.load %arg1[%get3A_4, %get3A_5, %get3A_6] : memref<2x1000x32xbf16, #tpu.memory_space<vmem>>, vector<1x1000x32xbf16>
    %get3A_8 = vector.shape_cast %get3A_7 : vector<1x1000x32xbf16> to vector<1000x32xbf16>
    %concatenate3A = tpu.concatenate %get3A_3, %get3A_8 in 1 : vector<1000x32xbf16>, vector<1000x32xbf16> -> vector<1000x64xbf16>
    %convert_element_type3A = arith.extf %concatenate3A : vector<1000x64xbf16> to vector<1000x64xf32>
    %get3A_9 = arith.constant 0 : index
    %get3A_10 = arith.constant 0 : index
    %get3A_11 = vector.load %arg3[%get3A_9, %get3A_10] : memref<1000x1xf32, #tpu.memory_space<vmem>>, vector<1000x1xf32>
    %get3A_12 = arith.constant 0 : index
    %get3A_13 = arith.constant 0 : index
    %get3A_14 = vector.load %arg2[%get3A_12, %get3A_13] : memref<1000x64xbf16, #tpu.memory_space<vmem>>, vector<1000x64xbf16>
    %convert_element_type3A_15 = arith.extf %get3A_14 : vector<1000x64xbf16> to vector<1000x64xf32>
    %add3A = arith.addf %convert_element_type3A, %convert_element_type3A_15 : vector<1000x64xf32>
    %mul3A = vector.broadcast %get3A_11 : vector<1000x1xf32> to vector<1000x64xf32>
    %mul3A_16 = arith.mulf %mul3A, %add3A : vector<1000x64xf32>
    %get3A_17 = arith.constant 0 : index
    %get3A_18 = arith.constant 0 : index
    %get3A_19 = vector.load %arg4[%get3A_17, %get3A_18] : memref<1x64xf32, #tpu.memory_space<vmem>>, vector<1x64xf32>
    %add3A_20 = vector.broadcast %get3A_19 : vector<1x64xf32> to vector<1000x64xf32>
    %add3A_21 = arith.addf %mul3A_16, %add3A_20 : vector<1000x64xf32>
    %iota3A = tpu.iota {dimensions = array<i32: 1>} : vector<1000x64xi32>
    %lt3A = arith.constant 40 : i32
    %lt3A_22 = vector.broadcast %lt3A : i32 to vector<1000x64xi32>
    %lt3A_23 = arith.cmpi slt, %iota3A, %lt3A_22 : vector<1000x64xi32>
    %jit3A = arith.constant -1.000000e+30 : f32
    %broadcast_in_dim3A = vector.broadcast %jit3A : f32 to vector<1000x64xf32>
    %select_n3A = arith.select %lt3A_23, %add3A_21, %broadcast_in_dim3A : vector<1000x64xi1>, vector<1000x64xf32>
    %reduce_max3A = arith.constant dense<0xFF800000> : vector<1000xf32>
    %reduce_max3A_24 = vector.multi_reduction <maximumf>, %select_n3A, %reduce_max3A [1] : vector<1000x64xf32> to vector<1000xf32>
    %broadcast_in_dim3A_25 = vector.shape_cast %reduce_max3A_24 : vector<1000xf32> to vector<1000x1xf32>
    %sub3A = vector.broadcast %broadcast_in_dim3A_25 : vector<1000x1xf32> to vector<1000x64xf32>
    %sub3A_26 = arith.subf %add3A_21, %sub3A : vector<1000x64xf32>
    %exp3A = math.exp %sub3A_26 : vector<1000x64xf32>
    %jit3A_27 = arith.constant 0.000000e+00 : f32
    %broadcast_in_dim3A_28 = vector.broadcast %jit3A_27 : f32 to vector<1000x64xf32>
    %select_n3A_29 = arith.select %lt3A_23, %exp3A, %broadcast_in_dim3A_28 : vector<1000x64xi1>, vector<1000x64xf32>
    %reduce_sum3A = arith.constant dense<0.000000e+00> : vector<1000xf32>
    %reduce_sum3A_30 = vector.multi_reduction <add>, %select_n3A_29, %reduce_sum3A [1] : vector<1000x64xf32> to vector<1000xf32>
    %broadcast_in_dim3A_31 = vector.shape_cast %reduce_sum3A_30 : vector<1000xf32> to vector<1000x1xf32>
    %log3A = math.log %broadcast_in_dim3A_31 : vector<1000x1xf32>
    %sub3A_32 = vector.broadcast %broadcast_in_dim3A_25 : vector<1000x1xf32> to vector<1000x64xf32>
    %sub3A_33 = arith.subf %add3A_21, %sub3A_32 : vector<1000x64xf32>
    %sub3A_34 = vector.broadcast %log3A : vector<1000x1xf32> to vector<1000x64xf32>
    %sub3A_35 = arith.subf %sub3A_33, %sub3A_34 : vector<1000x64xf32>
    %slice3A = vector.extract_strided_slice %sub3A_35 {offsets = [0, 0], sizes = [1000, 40], strides = [1, 1]} : vector<1000x64xf32> to vector<1000x40xf32>
    %swap3A = arith.constant 0 : index
    %swap3A_36 = arith.constant 0 : index
    %swap3A_37 = vector.load %arg5[%swap3A, %swap3A_36] : memref<1000x40xf32, #tpu.memory_space<vmem>>, vector<1000x40xf32>
    tpu.vector_store %arg5[%swap3A, %swap3A_36], %slice3A {strides = array<i32>} : memref<1000x40xf32, #tpu.memory_space<vmem>>, vector<1000x40xf32>,
    return
  }
  func.func @transform_0(%arg0: i32) -> (i32, i32, i32) {
    %c0_i32 = arith.constant 0 : i32
    %c0_i32_0 = arith.constant 0 : i32
    %c0_i32_1 = arith.constant 0 : i32
    return %c0_i32, %arg0, %c0_i32_0 : i32, i32, i32
  }
  func.func @transform_1(%arg0: i32) -> (i32, i32) {
    %c0_i32 = arith.constant 0 : i32
    %c0_i32_0 = arith.constant 0 : i32
    return %arg0, %c0_i32 : i32, i32
  }
  func.func @transform_2(%arg0: i32) -> (i32, i32) {
    %c0_i32 = arith.constant 0 : i32
    %c0_i32_0 = arith.constant 0 : i32
    return %arg0, %c0_i32 : i32, i32
  }
  func.func @transform_3(%arg0: i32) -> (i32, i32) {
    %c0_i32 = arith.constant 0 : i32
    %c0_i32_0 = arith.constant 0 : i32
    %c0_i32_1 = arith.constant 0 : i32
    return %c0_i32, %c0_i32_0 : i32, i32
  }
  func.func @transform_4(%arg0: i32) -> (i32, i32) {
    %c0_i32 = arith.constant 0 : i32
    %c0_i32_0 = arith.constant 0 : i32
    return %arg0, %c0_i32 : i32, i32
  }
}

</mosaic_0001>

<sc_bundles>
// kernel: kernel.11.cloned.1.call-start
scs
__scs_entry_jumppad:
0x0: {  	(pc) =	sbr.rel $0x88, $3  }
0x1: {  	(tag) =	ssettag $0x0;
	lr =	simm.s32 $0x1  }
0x2: {  	[smem:$0x3F9B] =	sst lr;
	_ =	strace $0xD0000000  }
0x3: {  	_ = 	snop  }
0x4: {  	_ = 	snop  }
0x5: {  	_ = 	snop  }
0x6: {  	_ = 	snop  }
0x7: {  	_ = 	snop  }
__scs_overlays_trampoline_lowered:
0x8: {  	[smem:$0x3FAA] =	sst s0  }
0x9: {  	[smem:$0x3FAB] =	sst s1  }
0xa: {  	[smem:$0x3FAC] =	sst s2  }
0xb: {  	[smem:$0x3FAD] =	sst s3  }
0xc: {  	[smem:$0x3FAE] =	sst s4  }
0xd: {  	[smem:$0x3FAF] =	sst s5  }
0xe: {  	[smem:$0x3FB0] =	sst s6  }
0xf: {  	[smem:$0x3FB1] =	sst s7  }
0x10: {  	[smem:$0x3FB2] =	sst s8  }
0x11: {  	[smem:$0x3FB3] =	sst s9;
	s0 =	simm.s32 @!p0 $0x0  }
0x12: {  	s1 =	sld [smem:$0x3F99];
	s0 =	simm.s32 @p0 $0x1  }
0x13: {  	[smem:$0x3FB4] =	sst s0;
	s0 =	simm.s32 @!p1 $0x0  }
0x14: {  	s2 =	sld [smem:$0x3F98];
	s0 =	simm.s32 @p1 $0x1  }
0x15: {  	[smem:$0x3FB5] =	sst s0;
	s0 =	simm.s32 @!p2 $0x0  }
0x16: {  	s3 =	sld [smem:$0x3FDB];
	s0 =	simm.s32 @p2 $0x1  }
0x17: {  	s4 =	simm.s32 $0x1BF5;
	[smem:$0x3FB7] =	sst s0  }
0x18: {  	s0 =	sld [smem:$0x3F9A];
	_ =	swait.ge [sflag:s4], $0x0  }
0x19: {  	s7 =	sld [smem:$0x3F9B]  }
0x1a: {  	s8 =	sadd.s32 $0xFFFFE003, lr  }
0x1b: {  	s9 =	sadd.s32 $0xFFFFFEF7, lr;
	s5 =	simm.s32 $0xFFFFFFFF;
	p2 =	slt.u32 s8, $0xFFFFF086  }
0x1c: {  	p1 =	slt.u32 s9, $0xF7A;
	s5 =	simm.s32 @!p2 $0x0  }
0x1d: {  	s5 =	simm.s32 @p1 $0x1;
	p0 =	seq.s32 s7, s2  }
0x1e: {  	s7 =	smul.u32 @!p0 $0xF7A, s2;
	p2 =	seq.s32 @!p0 s5, $0x0  }
0x1f: {  	s9 =	smul.u32 $0xF7A, s1;
	s8 =	simm.s32 @!p0 $0x1BF5;
	p2 =	por !p2, p0  }
0x20: {  	[sflag:s8] =	ssyncset.s32 @!p0 $0xFFFFF086;
	s6 =	sadd.s32 @!p0 s3, s7;
	s7 =	simm.s32 @!p0 $0x108  }
0x21: {  	s3 =	sadd.s32 s3, s9;
	s6 =	sadd.s32 @!p0 $0x88, s6;
	s7 =	simm.s32 @p2 $0x1082  }
0x22: {  	[simem:s7], [sflag:s8] =	dma.local @!p0 [hbm:s6], $0xF7A  }
0x23: {  	s9 =	sor.u32 $0xD0000000, s2;
	s6 =	simm.s32 $0x108;
	_ =	swait.ge @!p0 [sflag:s8], $0x0  }
0x24: {  	s3 =	sadd.s32 $0x88, s3;
	s6 =	simm.s32 @!p1 $0x1082;
	[sflag:s4] =	ssyncset.s32 $0xFFFFF086  }
0x25: {  	[simem:s6], [sflag:s4] =	dma.local [hbm:s3], $0xF7A  }
0x26: {  	[smem:$0x3F9B] =	sst s1;
	(tag) =	ssettag s2;
	_ =	strace s9  }
0x27: {  	s1 =	sld [smem:$0x3FAB]  }
0x28: {  	s2 =	sld [smem:$0x3FAC]  }
0x29: {  	s4 =	sld [smem:$0x3FAE]  }
0x2a: {  	p0 =	seq.s32 s5, $0x0;
	s5 =	sld [smem:$0x3FAF]  }
0x2b: {  	s6 =	sld [smem:$0x3FB0]  }
0x2c: {  	s7 =	sld [smem:$0x3FB1]  }
0x2d: {  	s3 =	simm.s32 $0x108;
	s8 =	sld [smem:$0x3FB2]  }
0x2e: {  	s3 =	simm.s32 @!p0 $0x1082;
	s9 =	sld [smem:$0x3FB3]  }
0x2f: {  	lr =	sadd.s32 s0, s3;
	s0 =	sld [smem:$0x3FAA]  }
0x30: {  	s3 =	sld [smem:$0x3FAD]  }
0x31: {  	[smem:$0x3FB6] =	sst s10  }
0x32: {  	s10 =	sld [smem:$0x3FB4];
	_ =	sdelay $0x3  }
0x33: {  	p0 =	seq.s32 s10, $0x1;
	s10 =	sld [smem:$0x3FB6];
	_ =	sdelay $0x3  }
0x34: {  	[smem:$0x3FB6] =	sst s10  }
0x35: {  	s10 =	sld [smem:$0x3FB5];
	_ =	sdelay $0x3  }
0x36: {  	p1 =	seq.s32 s10, $0x1;
	s10 =	sld [smem:$0x3FB6];
	_ =	sdelay $0x3  }
0x37: {  	[smem:$0x3FB6] =	sst s10  }
0x38: {  	s10 =	sld [smem:$0x3FB7]  }
0x39: {  	_ = 	snop;
	(pc) =	sbr.ind lr, $3  }
0x3a: {  	_ = 	snop  }
0x3b: {  	_ = 	snop  }
0x3c: {  	p2 =	seq.s32 s10, $0x1;
	s10 =	sld [smem:$0x3FB6]  }
0x3d: {  	_ =	shalt  }
0x3e: {  	_ =	shalt  }
0x3f: {  	_ =	shalt  }
0x40: {  	_ =	shalt  }
0x41: {  	_ =	shalt  }
0x42: {  	_ =	shalt  }
0x43: {  	_ =	shalt  }
0x44: {  	_ =	shalt  }
0x45: {  	_ =	shalt  }
0x46: {  	_ =	shalt  }
0x47: {  	_ =	shalt  }
0x48: {  	_ =	shalt  }
0x49: {  	_ =	shalt  }
0x4a: {  	_ =	shalt  }
0x4b: {  	_ =	shalt  }
0x4c: {  	_ =	shalt  }
0x4d: {  	_ =	shalt  }
0x4e: {  	_ =	shalt  }
0x4f: {  	_ =	shalt  }
0x50: {  	_ =	shalt  }
0x51: {  	_ =	shalt  }
0x52: {  	_ =	shalt  }
0x53: {  	_ =	shalt  }
0x54: {  	_ =	shalt  }
0x55: {  	_ =	shalt  }
0x56: {  	_ =	shalt  }
0x57: {  	_ =	shalt  }
0x58: {  	_ =	shalt  }
0x59: {  	_ =	shalt  }
0x5a: {  	_ =	shalt  }
0x5b: {  	_ =	shalt  }
0x5c: {  	_ =	shalt  }
0x5d: {  	_ =	shalt  }
0x5e: {  	_ =	shalt  }
0x5f: {  	_ =	shalt  }
0x60: {  	_ =	shalt  }
0x61: {  	_ =	shalt  }
0x62: {  	_ =	shalt  }
0x63: {  	_ =	shalt  }
0x64: {  	_ =	shalt  }
0x65: {  	_ =	shalt  }
0x66: {  	_ =	shalt  }
0x67: {  	_ =	shalt  }
0x68: {  	_ =	shalt  }
0x69: {  	_ =	shalt  }
0x6a: {  	_ =	shalt  }
0x6b: {  	_ =	shalt  }
0x6c: {  	_ =	shalt  }
0x6d: {  	_ =	shalt  }
0x6e: {  	_ =	shalt  }
0x6f: {  	_ =	shalt  }
0x70: {  	_ =	shalt  }
0x71: {  	_ =	shalt  }
0x72: {  	_ =	shalt  }
0x73: {  	_ =	shalt  }
0x74: {  	_ =	shalt  }
0x75: {  	_ =	shalt  }
0x76: {  	_ =	shalt  }
0x77: {  	_ =	shalt  }
0x78: {  	_ =	shalt  }
0x79: {  	_ =	shalt  }
0x7a: {  	_ =	shalt  }
0x7b: {  	_ =	shalt  }
0x7c: {  	_ =	shalt  }
0x7d: {  	_ =	shalt  }
0x7e: {  	_ =	shalt  }
0x7f: {  	_ =	shalt  }
0x80: {  	_ =	shalt  }
0x81: {  	_ =	shalt  }
0x82: {  	_ =	shalt  }
0x83: {  	_ =	shalt  }
0x84: {  	_ =	shalt  }
0x85: {  	_ =	shalt  }
0x86: {  	_ =	shalt  }
0x87: {  	_ =	shalt  }
.Lfunc_end0:
.L_simem_size_0:
called_computation.1_lowered:
.L_overlay_start_0:
0x88: {  	s2 =	sld [smem:$0x3FD9]  }
0x89: {  	s3 =	sld [smem:$0x3FFE];
	_ =	sdelay $0x1  }
0x8a: {  	s1 =	srdreg.scid  }
0x8b: {  	s0 =	sand.u32 $0x1, s1  }
0x8c: {  	s16 =	sshll.u32 s0, $0xA;
	s2 =	sadd.s32 s3, s2  }
0x8d: {  	s2 =	sadd.s32 s2, s16  }
0x8e: {  	[smem:$0x3FC2] =	sst s2  }
0x8f: {  	_ = 	snop  }
0x90: {  	(tm) =	ssettm $0x1  }
0x91: {  	s17 =	sld [smem:$0x3FFB];
	_ =	sdelay $0x3  }
0x92: {  	_ =	strace s17  }
0x93: {  	s2 =	sld [smem:$0x3FFC];
	_ =	sdelay $0x3  }
0x94: {  	_ =	strace s2  }
0x95: {  	s2 =	sld [smem:$0x3FFD];
	_ =	sdelay $0x3  }
0x96: {  	_ =	strace s2  }
0x97: {  	_ =	strace $0x8FFFFFFF  }
0x98: {  	s18 =	sld [smem:$0x3FDB];
	_ =	sdelay $0x1  }
0x99: {  	s19 =	simm.s32 $_scs_section_size  }
0x9a: {  	s4 =	simm.s32 $_size__tile_overlayer_lowered;
	s5 =	simm.s32 $_tile_overlayer_lowered  }
0x9b: {  	s22 =	simm.s32 $0x1BFF;
	s21 =	sshll.u32 s5, $0x1;
	s2 =	sadd.s32 s19, s18  }
0x9c: {  	s6 =	simm.s32 $0x0;
	s20 =	sshll.u32 s4, $0x1;
	s4 =	sadd.s32 s21, s2  }
0x9d: {  	[timem:s6], [sflag:s22] =	dma.local [hbm:s4], s20  }
0x9e: {  	_ =	swait.ge [sflag:s22], s20  }
0x9f: {  	s3 =	ssub.s32 $0x0, s20;
	[sflag:s22] =	ssyncset.done $0x0  }
0xa0: {  	[sflag:s22] =	ssyncadd.s32 s3;
	_ =	sdelay $0x1  }
0xa1: {  	s23 =	simm.s32 $0x1B8B  }
0xa2: {  	_ =	swait.ge [sflag:s23], $0x1  }
0xa3: {  	[sflag:s23] =	ssyncset.done $0x0  }
0xa4: {  	s25 =	simm.s32 $0x1B8E;
	s24 =	sld [smem:$0x3FFE];
	[sflag:s23] =	ssyncadd.s32 $0xFFFFFFFF  }
0xa5: {  	s26 =	simm.s32 $execute0_lowered;
	[smem:$0x3FD2] =	sst s25  }
0xa6: {  	s4 =	sshll.u32 s26, $0x1;
	_ =	strace $0x80000049;
	[dreg:$0x1] =	wrdreg $0xFFFFFFFF  }
0xa7: {  	s28 =	simm.s32 $_size_execute0_lowered;
	s2 =	sadd.s32 s2, s4;
	[dreg:$0x0] =	wrdreg $0x0  }
0xa8: {  	s4 =	sshll.u32 s28, $0x1;
	[dreg:$0x2] =	wrdreg s2  }
0xa9: {  	[dreg:$0x3] =	wrdreg s4  }
0xaa: {  	[dreg:$0x4] =	wrdreg $0xC0  }
0xab: {  	_ =	task [dreg:s6], $0x5FFFF  }
0xac: {  	[dreg:$0x1] =	wrdreg $0xFFFFFFFF  }
0xad: {  	[dreg:$0x0] =	wrdreg $0x60  }
0xae: {  	[dreg:$0x2] =	wrdreg s24  }
0xaf: {  	[dreg:$0x3] =	wrdreg $0x94200  }
0xb0: {  	[dreg:$0x4] =	wrdreg $0x46000  }
0xb1: {  	[dreg:$0x5] =	wrdreg $0x9  }
0xb2: {  	_ =	task.clear_ibuf [dreg:s6], $0x6FFFF;
	_ =	strace $0x90000049  }
0xb3: {  	s29 =	simm.s32 $0x9;
	_ =	strace $0x8000004B  }
0xb4: {  	_ =	swait.ge [sflag:s29], $0x1  }
0xb5: {  	[sflag:s29] =	ssyncadd.s32 $0xFFFFFFFF  }
0xb6: {  	_ =	strace $0x9000004B  }
0xb7: {  	_ =	sfence  }
0xb8: {  	s30 =	sld [smem:$0x0];
	_ =	sdelay $0x2  }
0xb9: {  	s31 =	sshll.u32 s1, $0xD;
	s1 =	sshrl.u32 s1, $0x2  }
0xba: {  	s3 =	sand.u32 $0x4000, s31;
	s1 =	sadd.s32 s1, s30  }
0xbb: {  	s0 =	sor.u32 s3, s0;
	s1 =	sshll.u32 s1, $0x11  }
0xbc: {  	s0 =	sor.u32 s1, s0  }
0xbd: {  	s0 =	sadd.s32 $0x8F2B, s0  }
0xbe: {  	[sflag:s0] =	ssyncadd.remote.s32 $0x1  }
0xbf: {  	_ =	sfence.sel $0xFFFF  }
0xc0: {  	[dreg:$0x0] =	wrdreg $0xFFFFFFFF;
	(pc) =	sbr.abs _section_cstart, $3  }
0xc1: {  	[dreg:$0x1] =	wrdreg $0xFFFFFFFF  }
0xc2: {  	_ =	task.clear_ibuf [dreg:s6], $0x2FFFF;
	_ =	strace $0x9FFFFFFF  }
0xc3: {  	(tm) =	ssettm $0x7FFFFFFF  }
tec
execute0_lowered:
.L_overlay_start_1:
0x0: {  	(tag) =	ssettag $0x1  }
0x1: {  	s5 =	rddreg [dreg:$0x0]  }
0x2: {  	s2 =	rddreg [dreg:$0x1];
	s0 =	stileid.u32  }
0x3: {  	s1 =	srdreg.scid;
	s3 =	rddreg [dreg:$0x2];
	s4 =	simm.s32 $0x0  }
0x4: {  	s15 =	simm.s32 $0x600;
	s16 =	simm.s32 $0x4;
	s19 =	simm.s32 $0x80  }
0x5: {  	s20 =	simm.s32 $0x4F000;
	s21 =	simm.s32 $0x3;
	s6 =	smul.u32 $0x9E0, s0  }
0x6: {  	s23 =	simm.s32 $0x0;
	s7 =	sand.u32 $0x1, s1;
	s9 =	smul.u32 $0xA000, s0  }
0x7: {  	[smem:$0x7FF] =	sst s4;
	s10 =	sadd.s32 $0x15200, s5;
	s11 =	smul.u32 $0x14000, s0  }
0x8: {  	s17 =	sadd.s32 $0x4B000, s3;
	p0 =	seq.s32 s0, $0xF;
	s8 =	smul.u32 $0xA0000, s7  }
0x9: {  	_ =	strace $0x8000004A;
	s28 =	ssub.s32 $0x2, s7;
	s30 =	sshll.u32 s7, $0x6  }
0xa: {  	s7 =	sshll.u32 s7, $0x2;
	s17 =	sshrl.u32 @p0 s17, $0x3;
	s14 =	sadd.s32 s6, s5  }
0xb: {  	s29 =	sshrl.u32 s28, $0x1;
	s31 =	sshrl.u32 s11, $0x2;
	s7 =	sadd.s32 s7, s10  }
0xc: {  	s26 =	sadd.s32 s9, s8;
	s13 =	ssub.s32 s28, s29;
	s18 =	sadd.s32 s31, s3  }
0xd: {  	s7 =	sadd.s32 $0x12C00, s7;
	s9 =	sshrl.u32 s9, $0x1;
	s14 =	sadd.s32 $0x1600, s14  }
0xe: {  	s6 =	sshrl.u32 s26, $0x4;
	s22 =	sadd.s32 s9, s2;
	s9 =	smax.u32 s13, $0x1  }
0xf: {  	s18 =	sshrl.u32 @!p0 s18, $0x3;
	s12 =	sadd.s32 s6, s5;
	s6 =	sor.u32 s30, s11  }
0x10: {  	s5 =	sadd.s32 s31, s2;
	s22 =	sshrl.u32 s22, $0x3;
	s6 =	sshrl.u32 s6, $0x4  }
0x11: {  	s8 =	sadd.s32 $0x28C00, s12;
	s11 =	sadd.s32 $0x2000, s5;
	s12 =	sadd.s32 $0x3000, s5  }
0x12: {  	v0 =	vimm.bf16 $0.0e+00;
	s13 =	sadd.s32 $0x4000, s5;
	s6 =	sadd.s32 s10, s6;
	s10 =	sadd.s32 $0x1000, s5  }
.LBB2_1:
0x13: {  	s25 =	sand.u32 $0x3FC0, s4  }
0x14: {  	s24 =	simm.s32 $0x40;
	s25 =	sshrl.u32 s25, $0x2  }
.LBB2_2:
0x15: {  	p1 =	sne.s32 s24, $0x3FC0;
	[tilespmem:s25+$0x600] =	vst v0;
	s25 =	smov.u32 s24;
	s24 =	sadd.s32 $0x40, s24  }
.Ltmp0:
0x16: {  	(pc) =	sbr.rel @p1 .LBB2_2-.Ltmp0, $3  }
0x17: {  	_ =	sdelay $0x1  }
0x18: {  	s25 =	sand.u32 $0x3FC0, s25  }
0x19: {  	s25 =	sshrl.u32 s25, $0x2  }
0x1a: {  	[tilespmem:s25+$0x600] =	vst v0  }
0x1b: {  	[spmem:s5] =	stream.linear.scatter [tilespmem:s15], [sflag:$0x4], $0x1000, $0x38;
	[tilespmem:$0xE420] =	vst v63  }
0x1c: {  	_ =	swait.ge [sflag:s16], $0x1000  }
0x1d: {  	[sflag:s16] =	ssyncset.done $0x0  }
0x1e: {  	[sflag:s16] =	ssyncadd.s32 $0xFFFFF000  }
0x1f: {  	[spmem:s10] =	stream.linear.scatter [tilespmem:s15], [sflag:$0x4], $0x1000, $0x38;
	[tilespmem:$0xE420] =	vst v63  }
0x20: {  	_ =	swait.ge [sflag:s16], $0x1000  }
0x21: {  	[sflag:s16] =	ssyncset.done $0x0  }
0x22: {  	[sflag:s16] =	ssyncadd.s32 $0xFFFFF000  }
0x23: {  	[spmem:s11] =	stream.linear.scatter [tilespmem:s15], [sflag:$0x4], $0x1000, $0x38;
	[tilespmem:$0xE420] =	vst v63  }
0x24: {  	_ =	swait.ge [sflag:s16], $0x1000  }
0x25: {  	[sflag:s16] =	ssyncset.done $0x0  }
0x26: {  	[sflag:s16] =	ssyncadd.s32 $0xFFFFF000  }
0x27: {  	[spmem:s12] =	stream.linear.scatter [tilespmem:s15], [sflag:$0x4], $0x1000, $0x38;
	[tilespmem:$0xE420] =	vst v63  }
0x28: {  	_ =	swait.ge [sflag:s16], $0x1000  }
0x29: {  	[sflag:s16] =	ssyncset.done $0x0  }
0x2a: {  	[sflag:s16] =	ssyncadd.s32 $0xFFFFF000  }
0x2b: {  	[spmem:s13] =	stream.linear.scatter [tilespmem:s15], [sflag:$0x4], $0x1000, $0x38;
	[tilespmem:$0xE420] =	vst v63  }
0x2c: {  	_ =	swait.ge [sflag:s16], $0x1000  }
0x2d: {  	s24 =	simm.s32 @p0 $0x1;
	s25 =	simm.s32 @p0 $0x4;
	[sflag:s16] =	ssyncset.done $0x0  }
0x2e: {  	s26 =	simm.s32 @p0 $0x8;
	s28 =	simm.s32 @p0 $0x1FC4;
	[sflag:s16] =	ssyncadd.s32 $0xFFFFF000  }
0x2f: {  	[spmem:s17@s25], [sflag:s28] =	dma.strided @p0 [hbm:s7@s26], $0x640, s24, $0x4   }
0x30: {  	s24 =	sshll.u32 @!p0 s0, $0x6;
	_ =	swait.ge @p0 [sflag:s25], $0x640  }
0x31: {  	s26 =	simm.s32 @!p0 $0x4;
	s28 =	simm.s32 @!p0 $0x8;
	[sflag:s25] =	ssyncset.done @p0 $0x0  }
0x32: {  	s24 =	sor.u32 @!p0 $0x1C04, s24;
	[sflag:s25] =	ssyncadd.s32 @p0 $0xFFFFF9C0;
	s25 =	simm.s32 @!p0 $0x1  }
0x33: {  	[spmem:s18@s26], [sflag:s24] =	dma.strided @!p0 [hbm:s6@s28], $0xA00, s25, $0x4   }
0x34: {  	_ =	swait.ge @!p0 [sflag:s26], $0xA00  }
0x35: {  	[sflag:s26] =	ssyncset.done @!p0 $0x0  }
0x36: {  	s24 =	simm.s32 $0xFFFF8000;
	[sflag:s26] =	ssyncadd.s32 @!p0 $0xFFFFF600  }
0x37: {  	s25 =	smov.u32 s14;
	s26 =	simm.s32 $0xFFFFFFFE;
	[bflag:$0x0] =	sbarrier.arrive $0xFFFF  }
.LBB2_4:
0x38: {  	s28 =	sadd.s32 $0x2, s26  }
0x39: {  	p1 =	slt.u32 s28, $0x6  }
0x3a: {  	s29 =	simm.s32 @!p1 $0x3  }
0x3b: {  	p2 =	sgt.u32 @!p1 s28, $0x9D;
	_ =	swait.ge @!p1 [sflag:s29], $0x1000  }
0x3c: {  	p2 =	por p1, !p2;
	[sflag:s29] =	ssyncset.done @!p1 $0x0  }
0x3d: {  	[sflag:s29] =	ssyncadd.s32 @!p1 $0xFFFFF000;
	s29 =	smul.u32 @p2 $0xAB, s28;
	_ =	sdelay $0x1  }
0x3e: {  	s29 =	sshrl.u32 @p2 s29, $0xA  }
0x3f: {  	s29 =	sand.u32 @p2 $0x3F, s29  }
0x40: {  	s29 =	smul.u32 @p2 $0x6, s29;
	_ =	sdelay $0x1  }
0x41: {  	s29 =	ssub.s32 @p2 s28, s29  }
0x42: {  	s29 =	sand.u32 @p2 $0xFF, s29  }
0x43: {  	p1 =	slt.u32 s28, $0x2;
	s29 =	sshll.u32 @p2 s29, $0x8  }
0x44: {  	[tilespmem:s29], [sflag:$0x1] =	stream.strided.gather @p2 [hbm4b:s25+s19], $0x100, s20, s19, $0x38;
	[tilespmem:$0xE420] =	vst v63  }
0x45: {  	s1 =	sand.u32 @!p1 $0xFF, s26;
	s29 =	sadd.s32 $0x1, s26  }
0x46: {  	s1 =	smul.u32 @!p1 $0xAB, s1;
	p2 =	sgt.u32 s29, $0x9D  }
0x47: {  	s30 =	smul.u32 @!p2 $0xAB, s29;
	_ =	sdelay $0x1  }
0x48: {  	s1 =	sshrl.u32 @!p1 s1, $0xA;
	s30 =	sshrl.u32 @!p2 s30, $0xA  }
0x49: {  	s1 =	smul.u32 @!p1 $0x6, s1;
	s30 =	sand.u32 @!p2 $0x3F, s30  }
0x4a: {  	s28 =	simm.s32 @!p2 $0x1;
	s30 =	smul.u32 @!p2 $0x6, s30  }
0x4b: {  	s1 =	ssub.s32 @!p1 s26, s1;
	s31 =	sadd.s32 @!p2 $0x4000, s24;
	_ =	swait.ge @!p2 [sflag:s28], $0x100  }
0x4c: {  	s31 =	sand.u32 @!p2 $0xC000, s31;
	[sflag:s28] =	ssyncset.done @!p2 $0x0;
	s30 =	ssub.s32 @!p2 s29, s30  }
0x4d: {  	s31 =	sshrl.u32 @!p2 s31, $0x2;
	[sflag:s28] =	ssyncadd.s32 @!p2 $0xFFFFFF00;
	s30 =	sand.u32 @!p2 $0xFF, s30  }
0x4e: {  	s28 =	sor.u32 @!p2 $0x600, s31;
	s31 =	simm.s32 @!p2 $0x80;
	s30 =	sshll.u32 @!p2 s30, $0x8  }
0x4f: {  	[tilespmem:s28], [sflag:$0x2] =	stream.indirect.gather @!p2 [spmem:s3], $0x20, s30, s31, $0xb8;
	[tilespmem:$0xE420] =	vst v63  }
0x50: {  	s1 =	sand.u32 @!p1 $0xFF, s1;
	s28 =	simm.s32 @!p1 $0x2  }
0x51: {  	s26 =	sand.u32 @!p1 $0xC000, s24;
	s1 =	sshll.u32 @!p1 s1, $0x8;
	_ =	swait.ge @!p1 [sflag:s28], $0x1000  }
0x52: {  	s26 =	sshrl.u32 @!p1 s26, $0x2;
	s1 =	sor.u32 @!p1 $0x80, s1;
	[sflag:s28] =	ssyncset.done @!p1 $0x0  }
0x53: {  	s26 =	sor.u32 @!p1 $0x600, s26;
	[sflag:s28] =	ssyncadd.s32 @!p1 $0xFFFFF000;
	s28 =	simm.s32 @!p1 $0x80  }
0x54: {  	[spmem:s2] =	stream.indirect.scatter.add.bf16 @!p1 [tilespmem:s26], [sflag:$0x3], $0x20, s1, s28, $0xb8;
	[tilespmem:$0xE420] =	vst v63  }
0x55: {  	p1 =	sne.s32 s29, $0x9E  }
.Ltmp1:
0x56: {  	_ = 	snop;
	(pc) =	sbr.rel @p1 .LBB2_4-.Ltmp1, $2  }
0x57: {  	_ =	sdelay $0x2  }
0x58: {  	s25 =	sadd.s32 $0x10, s25;
	s24 =	sadd.s32 $0x4000, s24;
	s26 =	smov.u32 s29  }
0x59: {  	_ =	swait.ge [sflag:s21], $0x1000  }
0x5a: {  	[sflag:s21] =	ssyncset.done $0x0  }
0x5b: {  	[sflag:s21] =	ssyncadd.s32 $0xFFFFF000  }
0x5c: {  	_ =	swait.ge [sflag:s21], $0x1000  }
0x5d: {  	[sflag:s21] =	ssyncset.done $0x0  }
0x5e: {  	[sflag:s21] =	ssyncadd.s32 $0xFFFFF000  }
0x5f: {  	_ =	swait.ge [sflag:s21], $0x1000  }
0x60: {  	[sflag:s21] =	ssyncset.done $0x0  }
0x61: {  	[sflag:s21] =	ssyncadd.s32 $0xFFFFF000  }
0x62: {  	_ =	swait.ge [sflag:s21], $0x1000  }
0x63: {  	s23 =	sadd.s32 $0x1, s23;
	[sflag:s21] =	ssyncset.done $0x0  }
0x64: {  	s1 =	sshll.u32 s0, $0x6;
	p1 =	sne.s32 s23, s9;
	[sflag:s21] =	ssyncadd.s32 $0xFFFFF000  }
.Ltmp2:
0x65: {  	s1 =	sor.u32 $0x1C04, s1;
	[bflag:$0x0] =	sbarrier.arrive $0xFFFF;
	(pc) =	sbr.rel @p1 .LBB2_1-.Ltmp2, $4  }
0x66: {  	[hbm:s8], [sflag:s1] =	dma.local [spmem:s22], $0xA00  }
0x67: {  	_ =	swait.ge [sflag:s16], $0xA00  }
0x68: {  	[sflag:s16] =	ssyncset.done $0x0  }
0x69: {  	[sflag:s16] =	ssyncadd.s32 $0xFFFFF600  }
0x6a: {  	_ =	sfence.sel $0x180000  }
0x6b: {  	[bflag:$0x0] =	sbarrier.arrive $0xFFFF  }
0x6c: {  	_ =	strace $0x9000004A  }
0x6d: {  	[bflag:$0x2] =	sbarrier.arrive $0xFFFF  }
0x6e: {  	p0 =	sne.s32 s0, $0x0;
	s0 =	rddreg [dreg:$0x3]  }
0x6f: {  	s0 =	sadd.s32 @!p0 $0x100000, s0  }
0x70: {  	[sflag:s0] =	ssyncadd.tile.s32 @!p0 $0x1;
	_ =	shalt  }
.Lfunc_end2:
_tile_overlayer_lowered:
.L_overlay_start_2:
0x71: {  	(tag) =	ssettag $0x2  }
0x72: {  	s0 =	rddreg [dreg:$0x0];
	s2 =	stileid.u32  }
0x73: {  	s1 =	rddreg [dreg:$0x1];
	p0 =	sne.s32 s2, $0x0  }
0x74: {  	s3 =	rddreg [dreg:$0x2];
	[bflag:$0x3] =	sbarrier.arrive $0xFFFF;
	s2 =	simm.s32 @!p0 $0x1C04  }
0x75: {  	[timem:s3], [sflag:s2] =	dma.local @!p0 [hbm:s0], s1  }
0x76: {  	s0 =	simm.s32 @!p0 $0x4  }
0x77: {  	_ =	swait.ge @!p0 [sflag:s0], s1  }
0x78: {  	s1 =	ssub.s32 @!p0 $0x0, s1;
	[sflag:s0] =	ssyncset.done @!p0 $0x0  }
0x79: {  	[sflag:s0] =	ssyncadd.s32 @!p0 s1  }
0x7a: {  	[bflag:$0x3] =	sbarrier.arrive $0xFFFF  }
0x7b: {  	_ =	shalt  }

// kernel: kernel.14.cloned.1.call-start
scs
__scs_entry_jumppad:
0x0: {  	(pc) =	sbr.rel $0x88, $3  }
0x1: {  	(tag) =	ssettag $0x0;
	lr =	simm.s32 $0x1  }
0x2: {  	[smem:$0x3F9B] =	sst lr;
	_ =	strace $0xD0000000  }
0x3: {  	_ = 	snop  }
0x4: {  	_ = 	snop  }
0x5: {  	_ = 	snop  }
0x6: {  	_ = 	snop  }
0x7: {  	_ = 	snop  }
__scs_overlays_trampoline_lowered:
0x8: {  	[smem:$0x3FAA] =	sst s0  }
0x9: {  	[smem:$0x3FAB] =	sst s1  }
0xa: {  	[smem:$0x3FAC] =	sst s2  }
0xb: {  	[smem:$0x3FAD] =	sst s3  }
0xc: {  	[smem:$0x3FAE] =	sst s4  }
0xd: {  	[smem:$0x3FAF] =	sst s5  }
0xe: {  	[smem:$0x3FB0] =	sst s6  }
0xf: {  	[smem:$0x3FB1] =	sst s7  }
0x10: {  	[smem:$0x3FB2] =	sst s8  }
0x11: {  	[smem:$0x3FB3] =	sst s9;
	s0 =	simm.s32 @!p0 $0x0  }
0x12: {  	s1 =	sld [smem:$0x3F99];
	s0 =	simm.s32 @p0 $0x1  }
0x13: {  	[smem:$0x3FB4] =	sst s0;
	s0 =	simm.s32 @!p1 $0x0  }
0x14: {  	s2 =	sld [smem:$0x3F98];
	s0 =	simm.s32 @p1 $0x1  }
0x15: {  	[smem:$0x3FB5] =	sst s0;
	s0 =	simm.s32 @!p2 $0x0  }
0x16: {  	s3 =	sld [smem:$0x3FDB];
	s0 =	simm.s32 @p2 $0x1  }
0x17: {  	s4 =	simm.s32 $0x1BF5;
	[smem:$0x3FB7] =	sst s0  }
0x18: {  	s0 =	sld [smem:$0x3F9A];
	_ =	swait.ge [sflag:s4], $0x0  }
0x19: {  	s7 =	sld [smem:$0x3F9B]  }
0x1a: {  	s8 =	sadd.s32 $0xFFFFE003, lr  }
0x1b: {  	s9 =	sadd.s32 $0xFFFFFEF7, lr;
	s5 =	simm.s32 $0xFFFFFFFF;
	p2 =	slt.u32 s8, $0xFFFFF086  }
0x1c: {  	p1 =	slt.u32 s9, $0xF7A;
	s5 =	simm.s32 @!p2 $0x0  }
0x1d: {  	s5 =	simm.s32 @p1 $0x1;
	p0 =	seq.s32 s7, s2  }
0x1e: {  	s7 =	smul.u32 @!p0 $0xF7A, s2;
	p2 =	seq.s32 @!p0 s5, $0x0  }
0x1f: {  	s9 =	smul.u32 $0xF7A, s1;
	s8 =	simm.s32 @!p0 $0x1BF5;
	p2 =	por !p2, p0  }
0x20: {  	[sflag:s8] =	ssyncset.s32 @!p0 $0xFFFFF086;
	s6 =	sadd.s32 @!p0 s3, s7;
	s7 =	simm.s32 @!p0 $0x108  }
0x21: {  	s3 =	sadd.s32 s3, s9;
	s6 =	sadd.s32 @!p0 $0x88, s6;
	s7 =	simm.s32 @p2 $0x1082  }
0x22: {  	[simem:s7], [sflag:s8] =	dma.local @!p0 [hbm:s6], $0xF7A  }
0x23: {  	s9 =	sor.u32 $0xD0000000, s2;
	s6 =	simm.s32 $0x108;
	_ =	swait.ge @!p0 [sflag:s8], $0x0  }
0x24: {  	s3 =	sadd.s32 $0x88, s3;
	s6 =	simm.s32 @!p1 $0x1082;
	[sflag:s4] =	ssyncset.s32 $0xFFFFF086  }
0x25: {  	[simem:s6], [sflag:s4] =	dma.local [hbm:s3], $0xF7A  }
0x26: {  	[smem:$0x3F9B] =	sst s1;
	(tag) =	ssettag s2;
	_ =	strace s9  }
0x27: {  	s1 =	sld [smem:$0x3FAB]  }
0x28: {  	s2 =	sld [smem:$0x3FAC]  }
0x29: {  	s4 =	sld [smem:$0x3FAE]  }
0x2a: {  	p0 =	seq.s32 s5, $0x0;
	s5 =	sld [smem:$0x3FAF]  }
0x2b: {  	s6 =	sld [smem:$0x3FB0]  }
0x2c: {  	s7 =	sld [smem:$0x3FB1]  }
0x2d: {  	s3 =	simm.s32 $0x108;
	s8 =	sld [smem:$0x3FB2]  }
0x2e: {  	s3 =	simm.s32 @!p0 $0x1082;
	s9 =	sld [smem:$0x3FB3]  }
0x2f: {  	lr =	sadd.s32 s0, s3;
	s0 =	sld [smem:$0x3FAA]  }
0x30: {  	s3 =	sld [smem:$0x3FAD]  }
0x31: {  	[smem:$0x3FB6] =	sst s10  }
0x32: {  	s10 =	sld [smem:$0x3FB4];
	_ =	sdelay $0x3  }
0x33: {  	p0 =	seq.s32 s10, $0x1;
	s10 =	sld [smem:$0x3FB6];
	_ =	sdelay $0x3  }
0x34: {  	[smem:$0x3FB6] =	sst s10  }
0x35: {  	s10 =	sld [smem:$0x3FB5];
	_ =	sdelay $0x3  }
0x36: {  	p1 =	seq.s32 s10, $0x1;
	s10 =	sld [smem:$0x3FB6];
	_ =	sdelay $0x3  }
0x37: {  	[smem:$0x3FB6] =	sst s10  }
0x38: {  	s10 =	sld [smem:$0x3FB7]  }
0x39: {  	_ = 	snop;
	(pc) =	sbr.ind lr, $3  }
0x3a: {  	_ = 	snop  }
0x3b: {  	_ = 	snop  }
0x3c: {  	p2 =	seq.s32 s10, $0x1;
	s10 =	sld [smem:$0x3FB6]  }
0x3d: {  	_ =	shalt  }
0x3e: {  	_ =	shalt  }
0x3f: {  	_ =	shalt  }
0x40: {  	_ =	shalt  }
0x41: {  	_ =	shalt  }
0x42: {  	_ =	shalt  }
0x43: {  	_ =	shalt  }
0x44: {  	_ =	shalt  }
0x45: {  	_ =	shalt  }
0x46: {  	_ =	shalt  }
0x47: {  	_ =	shalt  }
0x48: {  	_ =	shalt  }
0x49: {  	_ =	shalt  }
0x4a: {  	_ =	shalt  }
0x4b: {  	_ =	shalt  }
0x4c: {  	_ =	shalt  }
0x4d: {  	_ =	shalt  }
0x4e: {  	_ =	shalt  }
0x4f: {  	_ =	shalt  }
0x50: {  	_ =	shalt  }
0x51: {  	_ =	shalt  }
0x52: {  	_ =	shalt  }
0x53: {  	_ =	shalt  }
0x54: {  	_ =	shalt  }
0x55: {  	_ =	shalt  }
0x56: {  	_ =	shalt  }
0x57: {  	_ =	shalt  }
0x58: {  	_ =	shalt  }
0x59: {  	_ =	shalt  }
0x5a: {  	_ =	shalt  }
0x5b: {  	_ =	shalt  }
0x5c: {  	_ =	shalt  }
0x5d: {  	_ =	shalt  }
0x5e: {  	_ =	shalt  }
0x5f: {  	_ =	shalt  }
0x60: {  	_ =	shalt  }
0x61: {  	_ =	shalt  }
0x62: {  	_ =	shalt  }
0x63: {  	_ =	shalt  }
0x64: {  	_ =	shalt  }
0x65: {  	_ =	shalt  }
0x66: {  	_ =	shalt  }
0x67: {  	_ =	shalt  }
0x68: {  	_ =	shalt  }
0x69: {  	_ =	shalt  }
0x6a: {  	_ =	shalt  }
0x6b: {  	_ =	shalt  }
0x6c: {  	_ =	shalt  }
0x6d: {  	_ =	shalt  }
0x6e: {  	_ =	shalt  }
0x6f: {  	_ =	shalt  }
0x70: {  	_ =	shalt  }
0x71: {  	_ =	shalt  }
0x72: {  	_ =	shalt  }
0x73: {  	_ =	shalt  }
0x74: {  	_ =	shalt  }
0x75: {  	_ =	shalt  }
0x76: {  	_ =	shalt  }
0x77: {  	_ =	shalt  }
0x78: {  	_ =	shalt  }
0x79: {  	_ =	shalt  }
0x7a: {  	_ =	shalt  }
0x7b: {  	_ =	shalt  }
0x7c: {  	_ =	shalt  }
0x7d: {  	_ =	shalt  }
0x7e: {  	_ =	shalt  }
0x7f: {  	_ =	shalt  }
0x80: {  	_ =	shalt  }
0x81: {  	_ =	shalt  }
0x82: {  	_ =	shalt  }
0x83: {  	_ =	shalt  }
0x84: {  	_ =	shalt  }
0x85: {  	_ =	shalt  }
0x86: {  	_ =	shalt  }
0x87: {  	_ =	shalt  }
.Lfunc_end0:
.L_simem_size_0:
called_computation.2_lowered:
.L_overlay_start_0:
0x88: {  	s2 =	sld [smem:$0x3FD9]  }
0x89: {  	s3 =	sld [smem:$0x3FFE];
	_ =	sdelay $0x1  }
0x8a: {  	s1 =	srdreg.scid  }
0x8b: {  	s0 =	sand.u32 $0x1, s1  }
0x8c: {  	s17 =	sshll.u32 s0, $0xA;
	s2 =	sadd.s32 s3, s2  }
0x8d: {  	s2 =	sadd.s32 s2, s17  }
0x8e: {  	[smem:$0x3FC2] =	sst s2  }
0x8f: {  	_ = 	snop  }
0x90: {  	s2 =	sld [smem:$0x3FD0];
	(tm) =	ssettm $0x1  }
0x91: {  	s18 =	sld [smem:$0x3FFB];
	_ =	sdelay $0x3  }
0x92: {  	_ =	strace s18  }
0x93: {  	s3 =	sld [smem:$0x3FFC];
	_ =	sdelay $0x3  }
0x94: {  	_ =	strace s3  }
0x95: {  	s3 =	sld [smem:$0x3FFD];
	_ =	sdelay $0x3  }
0x96: {  	_ =	strace s3  }
0x97: {  	_ =	strace $0x8FFFFFFF  }
0x98: {  	s19 =	sld [smem:$0x3FDB];
	_ =	sdelay $0x1  }
0x99: {  	s4 =	simm.s32 $_scs_section_size  }
0x9a: {  	s5 =	simm.s32 $_size__tile_overlayer_lowered;
	s6 =	simm.s32 $_tile_overlayer_lowered  }
0x9b: {  	s22 =	simm.s32 $0x1BFF;
	s21 =	sshll.u32 s6, $0x1;
	s3 =	sadd.s32 s4, s19  }
0x9c: {  	s7 =	simm.s32 $0x0;
	s20 =	sshll.u32 s5, $0x1;
	s5 =	sadd.s32 s21, s3  }
0x9d: {  	[timem:s7], [sflag:s22] =	dma.local [hbm:s5], s20  }
0x9e: {  	_ =	swait.ge [sflag:s22], s20  }
0x9f: {  	s4 =	ssub.s32 $0x0, s20;
	[sflag:s22] =	ssyncset.done $0x0  }
0xa0: {  	[sflag:s22] =	ssyncadd.s32 s4;
	_ =	sdelay $0x1  }
0xa1: {  	s23 =	simm.s32 $0x1B8B  }
0xa2: {  	_ =	swait.ge [sflag:s23], $0x1  }
0xa3: {  	[sflag:s23] =	ssyncset.done $0x0  }
0xa4: {  	s25 =	simm.s32 $0x1B8E;
	s24 =	sld [smem:$0x3FFE];
	[sflag:s23] =	ssyncadd.s32 $0xFFFFFFFF  }
0xa5: {  	s26 =	simm.s32 $execute0_lowered;
	[smem:$0x3FD2] =	sst s25  }
0xa6: {  	s5 =	sshll.u32 s26, $0x1;
	_ =	strace $0x8000004C;
	[dreg:$0x1] =	wrdreg $0xFFFFFFFF  }
0xa7: {  	s28 =	simm.s32 $_size_execute0_lowered;
	s3 =	sadd.s32 s3, s5;
	[dreg:$0x0] =	wrdreg $0x0  }
0xa8: {  	s5 =	sshll.u32 s28, $0x1;
	[dreg:$0x2] =	wrdreg s3  }
0xa9: {  	[dreg:$0x3] =	wrdreg s5  }
0xaa: {  	[dreg:$0x4] =	wrdreg $0xC0  }
0xab: {  	_ =	task [dreg:s7], $0x5FFFF  }
0xac: {  	[dreg:$0x1] =	wrdreg $0xFFFFFFFF  }
0xad: {  	[dreg:$0x0] =	wrdreg $0x60  }
0xae: {  	[dreg:$0x2] =	wrdreg s24  }
0xaf: {  	[dreg:$0x3] =	wrdreg s2  }
0xb0: {  	[dreg:$0x4] =	wrdreg $0x5F100  }
0xb1: {  	[dreg:$0x5] =	wrdreg $0x38000  }
0xb2: {  	[dreg:$0x6] =	wrdreg $0x9  }
0xb3: {  	_ =	task.clear_ibuf [dreg:s7], $0x7FFFF;
	_ =	strace $0x9000004C  }
0xb4: {  	s29 =	simm.s32 $0x9;
	_ =	strace $0x8000004E  }
0xb5: {  	_ =	swait.ge [sflag:s29], $0x1  }
0xb6: {  	[sflag:s29] =	ssyncadd.s32 $0xFFFFFFFF  }
0xb7: {  	_ =	strace $0x9000004E  }
0xb8: {  	_ =	sfence  }
0xb9: {  	s30 =	sld [smem:$0x0];
	_ =	sdelay $0x2  }
0xba: {  	s31 =	sshll.u32 s1, $0xD;
	s1 =	sshrl.u32 s1, $0x2  }
0xbb: {  	s3 =	sand.u32 $0x4000, s31;
	s1 =	sadd.s32 s1, s30  }
0xbc: {  	s0 =	sor.u32 s3, s0;
	s1 =	sshll.u32 s1, $0x11  }
0xbd: {  	s0 =	sor.u32 s1, s0  }
0xbe: {  	s0 =	sadd.s32 $0x8F2B, s0  }
0xbf: {  	[sflag:s0] =	ssyncadd.remote.s32 $0x1  }
0xc0: {  	_ =	sfence.sel $0xFFFF  }
0xc1: {  	[dreg:$0x0] =	wrdreg $0xFFFFFFFF;
	(pc) =	sbr.abs _section_cstart, $3  }
0xc2: {  	[dreg:$0x1] =	wrdreg $0xFFFFFFFF  }
0xc3: {  	_ =	task.clear_ibuf [dreg:s7], $0x2FFFF;
	_ =	strace $0x9FFFFFFF  }
0xc4: {  	(tm) =	ssettm $0x7FFFFFFF  }
0xc5: {  	_ =	shalt  }
tec
execute0_lowered:
.L_overlay_start_1:
0x0: {  	(tag) =	ssettag $0x1  }
0x1: {  	s5 =	rddreg [dreg:$0x0]  }
0x2: {  	s8 =	rddreg [dreg:$0x1]  }
0x3: {  	s1 =	rddreg [dreg:$0x2]  }
0x4: {  	s3 =	rddreg [dreg:$0x3]  }
0x5: {  	s0 =	rddreg [dreg:$0x4];
	s4 =	simm.s32 $0x0  }
0x6: {  	s2 =	stileid.u32;
	s7 =	srdreg.scid;
	s15 =	simm.s32 $0x800  }
0x7: {  	s16 =	simm.s32 $0x4;
	s19 =	simm.s32 $0x80;
	s20 =	simm.s32 $0x4F000  }
0x8: {  	s21 =	simm.s32 $0x3;
	[smem:$0x7FF] =	sst s4;
	s6 =	smul.u32 $0x9E0, s2  }
0x9: {  	s7 =	sand.u32 $0x1, s7;
	s9 =	smul.u32 $0xA000, s2;
	s10 =	sadd.s32 $0x15200, s5  }
0xa: {  	s13 =	smul.u32 $0x5000, s2;
	s17 =	sadd.s32 $0x25800, s3;
	p0 =	seq.s32 s2, $0xF  }
0xb: {  	_ =	strace $0x8000004D;
	s23 =	ssub.s32 $0x2, s7;
	s11 =	sshll.u32 s7, $0x5  }
0xc: {  	s26 =	smul.u32 $0x50000, s7;
	s7 =	sshll.u32 s7, $0x1;
	s17 =	sshrl.u32 @p0 s17, $0x3  }
0xd: {  	s14 =	sadd.s32 s6, s5;
	s24 =	sshrl.u32 s23, $0x1;
	s25 =	sor.u32 s11, s9  }
0xe: {  	s28 =	sshrl.u32 s9, $0x2;
	s7 =	sadd.s32 s7, s10;
	s31 =	sshrl.u32 s13, $0x1  }
0xf: {  	s12 =	ssub.s32 s23, s24;
	s29 =	sshrl.u32 s25, $0x4;
	s5 =	sadd.s32 s28, s1  }
0x10: {  	s18 =	sadd.s32 s28, s3;
	s30 =	sadd.s32 s13, s26;
	s7 =	sadd.s32 $0x9600, s7  }
0x11: {  	s22 =	sadd.s32 s31, s1;
	s14 =	sadd.s32 $0x1600, s14;
	s6 =	sadd.s32 s10, s29  }
0x12: {  	s9 =	sshrl.u32 s30, $0x4;
	s10 =	sadd.s32 $0x800, s5;
	s11 =	sadd.s32 $0x1000, s5  }
0x13: {  	s13 =	sadd.s32 $0x2000, s5;
	s18 =	sshrl.u32 @!p0 s18, $0x3;
	s22 =	sshrl.u32 s22, $0x3  }
0x14: {  	v0 =	vimm.bf16 $0.0e+00;
	s8 =	sadd.s32 s8, s9;
	s9 =	smax.u32 s12, $0x1;
	s12 =	sadd.s32 $0x1800, s5  }
.LBB2_1:
0x15: {  	s23 =	simm.s32 $0x40;
	s24 =	simm.s32 $0x0  }
.LBB2_2:
0x16: {  	p1 =	sne.s32 s23, $0x1FC0;
	[tilespmem:s24+$0x800] =	vst v0;
	s24 =	smov.u32 s23;
	s23 =	sadd.s32 $0x40, s23  }
.Ltmp0:
0x17: {  	(pc) =	sbr.rel @p1 .LBB2_2-.Ltmp0, $2  }
0x18: {  	_ =	sdelay $0x2  }
0x19: {  	s24 =	sshra.s32 s24, $0x2  }
0x1a: {  	[tilespmem:s24+$0x800] =	vst v0  }
0x1b: {  	[spmem:s5] =	stream.linear.scatter [tilespmem:s15], [sflag:$0x4], $0x800, $0x38;
	[tilespmem:$0x8710] =	vst v63  }
0x1c: {  	_ =	swait.ge [sflag:s16], $0x800  }
0x1d: {  	[sflag:s16] =	ssyncset.done $0x0  }
0x1e: {  	[sflag:s16] =	ssyncadd.s32 $0xFFFFF800  }
0x1f: {  	[spmem:s10] =	stream.linear.scatter [tilespmem:s15], [sflag:$0x4], $0x800, $0x38;
	[tilespmem:$0x8710] =	vst v63  }
0x20: {  	_ =	swait.ge [sflag:s16], $0x800  }
0x21: {  	[sflag:s16] =	ssyncset.done $0x0  }
0x22: {  	[sflag:s16] =	ssyncadd.s32 $0xFFFFF800  }
0x23: {  	[spmem:s11] =	stream.linear.scatter [tilespmem:s15], [sflag:$0x4], $0x800, $0x38;
	[tilespmem:$0x8710] =	vst v63  }
0x24: {  	_ =	swait.ge [sflag:s16], $0x800  }
0x25: {  	[sflag:s16] =	ssyncset.done $0x0  }
0x26: {  	[sflag:s16] =	ssyncadd.s32 $0xFFFFF800  }
0x27: {  	[spmem:s12] =	stream.linear.scatter [tilespmem:s15], [sflag:$0x4], $0x800, $0x38;
	[tilespmem:$0x8710] =	vst v63  }
0x28: {  	_ =	swait.ge [sflag:s16], $0x800  }
0x29: {  	[sflag:s16] =	ssyncset.done $0x0  }
0x2a: {  	[sflag:s16] =	ssyncadd.s32 $0xFFFFF800  }
0x2b: {  	[spmem:s13] =	stream.linear.scatter [tilespmem:s15], [sflag:$0x4], $0x800, $0x38;
	[tilespmem:$0x8710] =	vst v63  }
0x2c: {  	_ =	swait.ge [sflag:s16], $0x800  }
0x2d: {  	s23 =	simm.s32 @p0 $0x1;
	s24 =	simm.s32 @p0 $0x2;
	[sflag:s16] =	ssyncset.done $0x0  }
0x2e: {  	s25 =	simm.s32 @p0 $0x4;
	s26 =	simm.s32 @p0 $0x1FC4;
	[sflag:s16] =	ssyncadd.s32 $0xFFFFF800  }
0x2f: {  	[spmem:s17@s24], [sflag:s26] =	dma.strided @p0 [hbm:s7@s25], $0x320, s23, $0x2   }
0x30: {  	s23 =	sshll.u32 @!p0 s2, $0x6;
	_ =	swait.ge @p0 [sflag:s25], $0x320  }
0x31: {  	s24 =	simm.s32 @!p0 $0x1;
	s26 =	simm.s32 @!p0 $0x4;
	[sflag:s25] =	ssyncset.done @p0 $0x0  }
0x32: {  	s23 =	sor.u32 @!p0 $0x1C04, s23;
	[sflag:s25] =	ssyncadd.s32 @p0 $0xFFFFFCE0;
	s25 =	simm.s32 @!p0 $0x2  }
0x33: {  	[spmem:s18@s25], [sflag:s23] =	dma.strided @!p0 [hbm:s6@s26], $0x500, s24, $0x2   }
0x34: {  	_ =	swait.ge @!p0 [sflag:s26], $0x500  }
0x35: {  	[sflag:s26] =	ssyncset.done @!p0 $0x0  }
0x36: {  	s23 =	simm.s32 $0xFFFFF800;
	[sflag:s26] =	ssyncadd.s32 @!p0 $0xFFFFFB00  }
0x37: {  	s25 =	simm.s32 $0xFFFFFFFE;
	s24 =	smov.u32 s14;
	[bflag:$0x0] =	sbarrier.arrive $0xFFFF  }
.LBB2_4:
0x38: {  	s26 =	sadd.s32 $0x2, s25  }
0x39: {  	p1 =	slt.u32 s26, $0x8  }
0x3a: {  	s28 =	simm.s32 @!p1 $0x3  }
0x3b: {  	p2 =	sgt.u32 @!p1 s26, $0x9D;
	_ =	swait.ge @!p1 [sflag:s28], $0x800  }
0x3c: {  	p2 =	por p1, !p2;
	[sflag:s28] =	ssyncset.done @!p1 $0x0  }
0x3d: {  	[sflag:s28] =	ssyncadd.s32 @!p1 $0xFFFFF800;
	s28 =	sadd.s32 @p2 $0x800, s23  }
0x3e: {  	s28 =	sand.u32 @p2 $0x1C00, s28  }
0x3f: {  	s28 =	sshrl.u32 @p2 s28, $0x2  }
0x40: {  	[tilespmem:s28], [sflag:$0x1] =	stream.strided.gather @p2 [hbm4b:s24+s19], $0x100, s20, s19, $0x38;
	[tilespmem:$0x8710] =	vst v63  }
0x41: {  	s28 =	sadd.s32 $0x1, s25  }
0x42: {  	p2 =	sgt.u32 s28, $0x9D  }
0x43: {  	s29 =	smul.u32 @!p2 $0xAB, s28;
	_ =	sdelay $0x1  }
0x44: {  	s29 =	sshrl.u32 @!p2 s29, $0xA  }
0x45: {  	s29 =	sand.u32 @!p2 $0x3F, s29  }
0x46: {  	s29 =	smul.u32 @!p2 $0x6, s29  }
0x47: {  	p1 =	slt.u32 s26, $0x2;
	s30 =	simm.s32 @!p2 $0x1  }
0x48: {  	_ =	swait.ge @!p2 [sflag:s30], $0x100;
	s26 =	ssub.s32 @!p2 s28, s29;
	s29 =	sand.u32 @!p1 $0xFF, s25  }
0x49: {  	s31 =	simm.s32 @!p2 $0x80;
	[sflag:s30] =	ssyncset.done @!p2 $0x0;
	s29 =	smul.u32 @!p1 $0xAB, s29  }
0x4a: {  	[sflag:s30] =	ssyncadd.s32 @!p2 $0xFFFFFF00;
	s30 =	sadd.s32 @!p2 $0x400, s23;
	s26 =	sand.u32 @!p2 $0xFF, s26  }
0x4b: {  	s30 =	sand.u32 @!p2 $0x1C00, s30;
	s26 =	sshll.u32 @!p2 s26, $0xB;
	s29 =	sshrl.u32 @!p1 s29, $0xA  }
0x4c: {  	s30 =	sshrl.u32 @!p2 s30, $0x2;
	s26 =	sadd.s32 @!p2 $0x800, s26;
	s29 =	smul.u32 @!p1 $0x6, s29  }
0x4d: {  	[tilespmem:s26], [sflag:$0x2] =	stream.indirect.gather @!p2 [spmem:s3], $0x10, s30, s31, $0xb8;
	[tilespmem:$0x8710] =	vst v63  }
0x4e: {  	s26 =	simm.s32 @!p1 $0x2  }
0x4f: {  	_ =	swait.ge @!p1 [sflag:s26], $0x800;
	s25 =	ssub.s32 @!p1 s25, s29  }
0x50: {  	s29 =	sand.u32 @!p1 $0x1C00, s23;
	[sflag:s26] =	ssyncset.done @!p1 $0x0;
	s25 =	sand.u32 @!p1 $0xFF, s25  }
0x51: {  	s29 =	sshrl.u32 @!p1 s29, $0x2;
	[sflag:s26] =	ssyncadd.s32 @!p1 $0xFFFFF800;
	s25 =	sshll.u32 @!p1 s25, $0xB  }
0x52: {  	s26 =	sor.u32 @!p1 $0x80, s29;
	s29 =	simm.s32 @!p1 $0x80;
	s25 =	sadd.s32 @!p1 $0x800, s25  }
0x53: {  	[spmem:s1] =	stream.indirect.scatter.add.bf16 @!p1 [tilespmem:s25], [sflag:$0x3], $0x10, s26, s29, $0xb8;
	[tilespmem:$0x8710] =	vst v63  }
0x54: {  	p1 =	sne.s32 s28, $0x9E  }
.Ltmp1:
0x55: {  	_ = 	snop;
	(pc) =	sbr.rel @p1 .LBB2_4-.Ltmp1, $2  }
0x56: {  	_ =	sdelay $0x2  }
0x57: {  	s24 =	sadd.s32 $0x10, s24;
	s23 =	sadd.s32 $0x400, s23;
	s25 =	smov.u32 s28  }
0x58: {  	_ =	swait.ge [sflag:s21], $0x800  }
0x59: {  	[sflag:s21] =	ssyncset.done $0x0  }
0x5a: {  	[sflag:s21] =	ssyncadd.s32 $0xFFFFF800  }
0x5b: {  	_ =	swait.ge [sflag:s21], $0x800  }
0x5c: {  	[sflag:s21] =	ssyncset.done $0x0  }
0x5d: {  	[sflag:s21] =	ssyncadd.s32 $0xFFFFF800  }
0x5e: {  	_ =	swait.ge [sflag:s21], $0x800  }
0x5f: {  	[sflag:s21] =	ssyncset.done $0x0  }
0x60: {  	[sflag:s21] =	ssyncadd.s32 $0xFFFFF800  }
0x61: {  	_ =	swait.ge [sflag:s21], $0x800  }
0x62: {  	[sflag:s21] =	ssyncset.done $0x0  }
0x63: {  	[sflag:s21] =	ssyncadd.s32 $0xFFFFF800  }
0x64: {  	_ =	swait.ge [sflag:s21], $0x800  }
0x65: {  	[sflag:s21] =	ssyncset.done $0x0  }
0x66: {  	[sflag:s21] =	ssyncadd.s32 $0xFFFFF800  }
0x67: {  	_ =	swait.ge [sflag:s21], $0x800  }
0x68: {  	s4 =	sadd.s32 $0x1, s4;
	[sflag:s21] =	ssyncset.done $0x0  }
0x69: {  	s23 =	sshll.u32 s2, $0x6;
	p1 =	sne.s32 s4, s9;
	[sflag:s21] =	ssyncadd.s32 $0xFFFFF800  }
.Ltmp2:
0x6a: {  	s23 =	sor.u32 $0x1C04, s23;
	[bflag:$0x0] =	sbarrier.arrive $0xFFFF;
	(pc) =	sbr.rel @p1 .LBB2_1-.Ltmp2, $4  }
0x6b: {  	[hbm:s8], [sflag:s23] =	dma.local [spmem:s22], $0x500  }
0x6c: {  	_ =	swait.ge [sflag:s16], $0x500  }
0x6d: {  	[sflag:s16] =	ssyncset.done $0x0  }
0x6e: {  	[sflag:s16] =	ssyncadd.s32 $0xFFFFFB00  }
0x6f: {  	_ =	sfence.sel $0x180000  }
0x70: {  	[bflag:$0x0] =	sbarrier.arrive $0xFFFF  }
0x71: {  	p0 =	sne.s32 s2, $0x0;
	_ =	strace $0x9000004D  }
0x72: {  	s0 =	sadd.s32 @!p0 $0x100000, s0;
	[bflag:$0x2] =	sbarrier.arrive $0xFFFF  }
0x73: {  	[sflag:s0] =	ssyncadd.tile.s32 @!p0 $0x1;
	_ =	shalt  }
.Lfunc_end2:
_tile_overlayer_lowered:
.L_overlay_start_2:
0x74: {  	(tag) =	ssettag $0x2  }
0x75: {  	s0 =	rddreg [dreg:$0x0];
	s2 =	stileid.u32  }
0x76: {  	s1 =	rddreg [dreg:$0x1];
	p0 =	sne.s32 s2, $0x0  }
0x77: {  	s3 =	rddreg [dreg:$0x2];
	[bflag:$0x3] =	sbarrier.arrive $0xFFFF;
	s2 =	simm.s32 @!p0 $0x1C04  }
0x78: {  	[timem:s3], [sflag:s2] =	dma.local @!p0 [hbm:s0], s1  }
0x79: {  	s0 =	simm.s32 @!p0 $0x4  }
0x7a: {  	_ =	swait.ge @!p0 [sflag:s0], s1  }
0x7b: {  	s1 =	ssub.s32 @!p0 $0x0, s1;
	[sflag:s0] =	ssyncset.done @!p0 $0x0  }
0x7c: {  	[sflag:s0] =	ssyncadd.s32 @!p0 s1  }
0x7d: {  	[bflag:$0x3] =	sbarrier.arrive $0xFFFF  }
0x7e: {  	_ =	shalt  }

// kernel: kernel.8.cloned.1.call-start
scs
__scs_entry_jumppad:
0x0: {  	(pc) =	sbr.rel $0x88, $3  }
0x1: {  	(tag) =	ssettag $0x0;
	lr =	simm.s32 $0x1  }
0x2: {  	[smem:$0x3F9B] =	sst lr;
	_ =	strace $0xD0000000  }
0x3: {  	_ = 	snop  }
0x4: {  	_ = 	snop  }
0x5: {  	_ = 	snop  }
0x6: {  	_ = 	snop  }
0x7: {  	_ = 	snop  }
__scs_overlays_trampoline_lowered:
0x8: {  	[smem:$0x3FAA] =	sst s0  }
0x9: {  	[smem:$0x3FAB] =	sst s1  }
0xa: {  	[smem:$0x3FAC] =	sst s2  }
0xb: {  	[smem:$0x3FAD] =	sst s3  }
0xc: {  	[smem:$0x3FAE] =	sst s4  }
0xd: {  	[smem:$0x3FAF] =	sst s5  }
0xe: {  	[smem:$0x3FB0] =	sst s6  }
0xf: {  	[smem:$0x3FB1] =	sst s7  }
0x10: {  	[smem:$0x3FB2] =	sst s8  }
0x11: {  	[smem:$0x3FB3] =	sst s9;
	s0 =	simm.s32 @!p0 $0x0  }
0x12: {  	s1 =	sld [smem:$0x3F99];
	s0 =	simm.s32 @p0 $0x1  }
0x13: {  	[smem:$0x3FB4] =	sst s0;
	s0 =	simm.s32 @!p1 $0x0  }
0x14: {  	s2 =	sld [smem:$0x3F98];
	s0 =	simm.s32 @p1 $0x1  }
0x15: {  	[smem:$0x3FB5] =	sst s0;
	s0 =	simm.s32 @!p2 $0x0  }
0x16: {  	s3 =	sld [smem:$0x3FDB];
	s0 =	simm.s32 @p2 $0x1  }
0x17: {  	s4 =	simm.s32 $0x1BF5;
	[smem:$0x3FB7] =	sst s0  }
0x18: {  	s0 =	sld [smem:$0x3F9A];
	_ =	swait.ge [sflag:s4], $0x0  }
0x19: {  	s7 =	sld [smem:$0x3F9B]  }
0x1a: {  	s8 =	sadd.s32 $0xFFFFE003, lr  }
0x1b: {  	s9 =	sadd.s32 $0xFFFFFEF7, lr;
	s5 =	simm.s32 $0xFFFFFFFF;
	p2 =	slt.u32 s8, $0xFFFFF086  }
0x1c: {  	p1 =	slt.u32 s9, $0xF7A;
	s5 =	simm.s32 @!p2 $0x0  }
0x1d: {  	s5 =	simm.s32 @p1 $0x1;
	p0 =	seq.s32 s7, s2  }
0x1e: {  	s7 =	smul.u32 @!p0 $0xF7A, s2;
	p2 =	seq.s32 @!p0 s5, $0x0  }
0x1f: {  	s9 =	smul.u32 $0xF7A, s1;
	s8 =	simm.s32 @!p0 $0x1BF5;
	p2 =	por !p2, p0  }
0x20: {  	[sflag:s8] =	ssyncset.s32 @!p0 $0xFFFFF086;
	s6 =	sadd.s32 @!p0 s3, s7;
	s7 =	simm.s32 @!p0 $0x108  }
0x21: {  	s3 =	sadd.s32 s3, s9;
	s6 =	sadd.s32 @!p0 $0x88, s6;
	s7 =	simm.s32 @p2 $0x1082  }
0x22: {  	[simem:s7], [sflag:s8] =	dma.local @!p0 [hbm:s6], $0xF7A  }
0x23: {  	s9 =	sor.u32 $0xD0000000, s2;
	s6 =	simm.s32 $0x108;
	_ =	swait.ge @!p0 [sflag:s8], $0x0  }
0x24: {  	s3 =	sadd.s32 $0x88, s3;
	s6 =	simm.s32 @!p1 $0x1082;
	[sflag:s4] =	ssyncset.s32 $0xFFFFF086  }
0x25: {  	[simem:s6], [sflag:s4] =	dma.local [hbm:s3], $0xF7A  }
0x26: {  	[smem:$0x3F9B] =	sst s1;
	(tag) =	ssettag s2;
	_ =	strace s9  }
0x27: {  	s1 =	sld [smem:$0x3FAB]  }
0x28: {  	s2 =	sld [smem:$0x3FAC]  }
0x29: {  	s4 =	sld [smem:$0x3FAE]  }
0x2a: {  	p0 =	seq.s32 s5, $0x0;
	s5 =	sld [smem:$0x3FAF]  }
0x2b: {  	s6 =	sld [smem:$0x3FB0]  }
0x2c: {  	s7 =	sld [smem:$0x3FB1]  }
0x2d: {  	s3 =	simm.s32 $0x108;
	s8 =	sld [smem:$0x3FB2]  }
0x2e: {  	s3 =	simm.s32 @!p0 $0x1082;
	s9 =	sld [smem:$0x3FB3]  }
0x2f: {  	lr =	sadd.s32 s0, s3;
	s0 =	sld [smem:$0x3FAA]  }
0x30: {  	s3 =	sld [smem:$0x3FAD]  }
0x31: {  	[smem:$0x3FB6] =	sst s10  }
0x32: {  	s10 =	sld [smem:$0x3FB4];
	_ =	sdelay $0x3  }
0x33: {  	p0 =	seq.s32 s10, $0x1;
	s10 =	sld [smem:$0x3FB6];
	_ =	sdelay $0x3  }
0x34: {  	[smem:$0x3FB6] =	sst s10  }
0x35: {  	s10 =	sld [smem:$0x3FB5];
	_ =	sdelay $0x3  }
0x36: {  	p1 =	seq.s32 s10, $0x1;
	s10 =	sld [smem:$0x3FB6];
	_ =	sdelay $0x3  }
0x37: {  	[smem:$0x3FB6] =	sst s10  }
0x38: {  	s10 =	sld [smem:$0x3FB7]  }
0x39: {  	_ = 	snop;
	(pc) =	sbr.ind lr, $3  }
0x3a: {  	_ = 	snop  }
0x3b: {  	_ = 	snop  }
0x3c: {  	p2 =	seq.s32 s10, $0x1;
	s10 =	sld [smem:$0x3FB6]  }
0x3d: {  	_ =	shalt  }
0x3e: {  	_ =	shalt  }
0x3f: {  	_ =	shalt  }
0x40: {  	_ =	shalt  }
0x41: {  	_ =	shalt  }
0x42: {  	_ =	shalt  }
0x43: {  	_ =	shalt  }
0x44: {  	_ =	shalt  }
0x45: {  	_ =	shalt  }
0x46: {  	_ =	shalt  }
0x47: {  	_ =	shalt  }
0x48: {  	_ =	shalt  }
0x49: {  	_ =	shalt  }
0x4a: {  	_ =	shalt  }
0x4b: {  	_ =	shalt  }
0x4c: {  	_ =	shalt  }
0x4d: {  	_ =	shalt  }
0x4e: {  	_ =	shalt  }
0x4f: {  	_ =	shalt  }
0x50: {  	_ =	shalt  }
0x51: {  	_ =	shalt  }
0x52: {  	_ =	shalt  }
0x53: {  	_ =	shalt  }
0x54: {  	_ =	shalt  }
0x55: {  	_ =	shalt  }
0x56: {  	_ =	shalt  }
0x57: {  	_ =	shalt  }
0x58: {  	_ =	shalt  }
0x59: {  	_ =	shalt  }
0x5a: {  	_ =	shalt  }
0x5b: {  	_ =	shalt  }
0x5c: {  	_ =	shalt  }
0x5d: {  	_ =	shalt  }
0x5e: {  	_ =	shalt  }
0x5f: {  	_ =	shalt  }
0x60: {  	_ =	shalt  }
0x61: {  	_ =	shalt  }
0x62: {  	_ =	shalt  }
0x63: {  	_ =	shalt  }
0x64: {  	_ =	shalt  }
0x65: {  	_ =	shalt  }
0x66: {  	_ =	shalt  }
0x67: {  	_ =	shalt  }
0x68: {  	_ =	shalt  }
0x69: {  	_ =	shalt  }
0x6a: {  	_ =	shalt  }
0x6b: {  	_ =	shalt  }
0x6c: {  	_ =	shalt  }
0x6d: {  	_ =	shalt  }
0x6e: {  	_ =	shalt  }
0x6f: {  	_ =	shalt  }
0x70: {  	_ =	shalt  }
0x71: {  	_ =	shalt  }
0x72: {  	_ =	shalt  }
0x73: {  	_ =	shalt  }
0x74: {  	_ =	shalt  }
0x75: {  	_ =	shalt  }
0x76: {  	_ =	shalt  }
0x77: {  	_ =	shalt  }
0x78: {  	_ =	shalt  }
0x79: {  	_ =	shalt  }
0x7a: {  	_ =	shalt  }
0x7b: {  	_ =	shalt  }
0x7c: {  	_ =	shalt  }
0x7d: {  	_ =	shalt  }
0x7e: {  	_ =	shalt  }
0x7f: {  	_ =	shalt  }
0x80: {  	_ =	shalt  }
0x81: {  	_ =	shalt  }
0x82: {  	_ =	shalt  }
0x83: {  	_ =	shalt  }
0x84: {  	_ =	shalt  }
0x85: {  	_ =	shalt  }
0x86: {  	_ =	shalt  }
0x87: {  	_ =	shalt  }
.Lfunc_end0:
.L_simem_size_0:
called_computation_lowered:
.L_overlay_start_0:
0x88: {  	s2 =	sld [smem:$0x3FD9]  }
0x89: {  	s3 =	sld [smem:$0x3FFE];
	_ =	sdelay $0x1  }
0x8a: {  	s1 =	srdreg.scid  }
0x8b: {  	s0 =	sand.u32 $0x1, s1  }
0x8c: {  	s17 =	sshll.u32 s0, $0xA;
	s2 =	sadd.s32 s3, s2  }
0x8d: {  	s2 =	sadd.s32 s2, s17  }
0x8e: {  	[smem:$0x3FC2] =	sst s2  }
0x8f: {  	_ = 	snop  }
0x90: {  	s2 =	sld [smem:$0x3FD0];
	(tm) =	ssettm $0x1  }
0x91: {  	s18 =	sld [smem:$0x3FFB];
	_ =	sdelay $0x3  }
0x92: {  	_ =	strace s18  }
0x93: {  	s3 =	sld [smem:$0x3FFC];
	_ =	sdelay $0x3  }
0x94: {  	_ =	strace s3  }
0x95: {  	s3 =	sld [smem:$0x3FFD];
	_ =	sdelay $0x3  }
0x96: {  	_ =	strace s3  }
0x97: {  	_ =	strace $0x8FFFFFFF  }
0x98: {  	s19 =	sld [smem:$0x3FDB];
	_ =	sdelay $0x1  }
0x99: {  	s4 =	simm.s32 $_scs_section_size  }
0x9a: {  	s5 =	simm.s32 $_size__tile_overlayer_lowered;
	s6 =	simm.s32 $_tile_overlayer_lowered  }
0x9b: {  	s22 =	simm.s32 $0x1BFF;
	s21 =	sshll.u32 s6, $0x1;
	s3 =	sadd.s32 s4, s19  }
0x9c: {  	s7 =	simm.s32 $0x0;
	s20 =	sshll.u32 s5, $0x1;
	s5 =	sadd.s32 s21, s3  }
0x9d: {  	[timem:s7], [sflag:s22] =	dma.local [hbm:s5], s20  }
0x9e: {  	_ =	swait.ge [sflag:s22], s20  }
0x9f: {  	s4 =	ssub.s32 $0x0, s20;
	[sflag:s22] =	ssyncset.done $0x0  }
0xa0: {  	[sflag:s22] =	ssyncadd.s32 s4;
	_ =	sdelay $0x1  }
0xa1: {  	s23 =	simm.s32 $0x1B8B  }
0xa2: {  	_ =	swait.ge [sflag:s23], $0x1  }
0xa3: {  	[sflag:s23] =	ssyncset.done $0x0  }
0xa4: {  	s25 =	simm.s32 $0x1B8E;
	s24 =	sld [smem:$0x3FFE];
	[sflag:s23] =	ssyncadd.s32 $0xFFFFFFFF  }
0xa5: {  	s26 =	simm.s32 $execute0_lowered;
	[smem:$0x3FD2] =	sst s25  }
0xa6: {  	s5 =	sshll.u32 s26, $0x1;
	_ =	strace $0x80000046;
	[dreg:$0x1] =	wrdreg $0xFFFFFFFF  }
0xa7: {  	s28 =	simm.s32 $_size_execute0_lowered;
	s3 =	sadd.s32 s3, s5;
	[dreg:$0x0] =	wrdreg $0x0  }
0xa8: {  	s5 =	sshll.u32 s28, $0x1;
	[dreg:$0x2] =	wrdreg s3  }
0xa9: {  	[dreg:$0x3] =	wrdreg s5  }
0xaa: {  	[dreg:$0x4] =	wrdreg $0xC0  }
0xab: {  	_ =	task [dreg:s7], $0x5FFFF  }
0xac: {  	[dreg:$0x1] =	wrdreg $0xFFFFFFFF  }
0xad: {  	[dreg:$0x0] =	wrdreg $0x60  }
0xae: {  	[dreg:$0x2] =	wrdreg s24  }
0xaf: {  	[dreg:$0x3] =	wrdreg s2  }
0xb0: {  	[dreg:$0x4] =	wrdreg $0x6800  }
0xb1: {  	[dreg:$0x5] =	wrdreg $0x9  }
0xb2: {  	_ =	task.clear_ibuf [dreg:s7], $0x6FFFF;
	_ =	strace $0x90000046  }
0xb3: {  	s29 =	simm.s32 $0x9;
	_ =	strace $0x80000048  }
0xb4: {  	_ =	swait.ge [sflag:s29], $0x1  }
0xb5: {  	[sflag:s29] =	ssyncadd.s32 $0xFFFFFFFF  }
0xb6: {  	_ =	strace $0x90000048  }
0xb7: {  	_ =	sfence  }
0xb8: {  	s30 =	sld [smem:$0x0];
	_ =	sdelay $0x2  }
0xb9: {  	s31 =	sshll.u32 s1, $0xD;
	s1 =	sshrl.u32 s1, $0x2  }
0xba: {  	s3 =	sand.u32 $0x4000, s31;
	s1 =	sadd.s32 s1, s30  }
0xbb: {  	s0 =	sor.u32 s3, s0;
	s1 =	sshll.u32 s1, $0x11  }
0xbc: {  	s0 =	sor.u32 s1, s0  }
0xbd: {  	s0 =	sadd.s32 $0x8F2B, s0  }
0xbe: {  	[sflag:s0] =	ssyncadd.remote.s32 $0x1  }
0xbf: {  	_ =	sfence.sel $0xFFFF  }
0xc0: {  	[dreg:$0x0] =	wrdreg $0xFFFFFFFF;
	(pc) =	sbr.abs _section_cstart, $3  }
0xc1: {  	[dreg:$0x1] =	wrdreg $0xFFFFFFFF  }
0xc2: {  	_ =	task.clear_ibuf [dreg:s7], $0x2FFFF;
	_ =	strace $0x9FFFFFFF  }
0xc3: {  	(tm) =	ssettm $0x7FFFFFFF  }
tec
execute0_lowered:
.L_overlay_start_1:
0x0: {  	(tag) =	ssettag $0x1  }
0x1: {  	s5 =	rddreg [dreg:$0x0]  }
0x2: {  	s6 =	rddreg [dreg:$0x1]  }
0x3: {  	s2 =	rddreg [dreg:$0x2]  }
0x4: {  	s0 =	rddreg [dreg:$0x3]  }
0x5: {  	s3 =	simm.s32 $0x0;
	s1 =	stileid.u32;
	s7 =	srdreg.scid  }
0x6: {  	s13 =	simm.s32 $0x2;
	s14 =	simm.s32 $0x1;
	s15 =	simm.s32 $0x80  }
0x7: {  	s16 =	simm.s32 $0x0;
	[smem:$0x7FF] =	sst s3;
	s4 =	smul.u32 $0x9E0, s1  }
0x8: {  	s7 =	sand.u32 $0x1, s7;
	s8 =	smul.u32 $0x1400, s1;
	s31 =	sshll.u32 s1, $0x6  }
0x9: {  	_ =	strace $0x80000047;
	s10 =	ssub.s32 $0x2, s7;
	s11 =	smul.u32 $0x14000, s7  }
0xa: {  	s7 =	smul.u32 $0x4F0, s7;
	s9 =	sadd.s32 s4, s5;
	s4 =	sadd.s32 $0x15600, s5  }
.Ltmp0:
0xb: {  	s12 =	sshrl.u32 s10, $0x1;
	s5 =	sadd.s32 $0x15200, s5;
	(pc) =	sbr.rel .LBB2_1-.Ltmp0, $4  }
0xc: {  	s29 =	sadd.s32 s8, s2;
	s10 =	ssub.s32 s10, s12;
	s11 =	sadd.s32 s8, s11  }
0xd: {  	s9 =	sadd.s32 s7, s9;
	s12 =	sshrl.u32 s29, $0x3;
	s30 =	sshrl.u32 s11, $0x3  }
0xe: {  	s7 =	smax.u32 s10, $0x1;
	s8 =	sadd.s32 $0xB400, s9;
	s9 =	simm.s32 $0x280  }
0xf: {  	s10 =	simm.s32 $0x3;
	s11 =	sor.u32 $0x1C03, s31;
	s6 =	sadd.s32 s6, s30  }
.LBB2_5:
0x10: {  	_ =	swait.ge [sflag:s13], $0x400  }
0x11: {  	[sflag:s13] =	ssyncset.done $0x0  }
0x12: {  	[sflag:s13] =	ssyncadd.s32 $0xFFFFFC00  }
0x13: {  	_ =	swait.ge [sflag:s13], $0x400  }
0x14: {  	[sflag:s13] =	ssyncset.done $0x0  }
0x15: {  	[sflag:s13] =	ssyncadd.s32 $0xFFFFFC00  }
0x16: {  	_ =	swait.ge [sflag:s13], $0x400  }
0x17: {  	[sflag:s13] =	ssyncset.done $0x0  }
0x18: {  	[sflag:s13] =	ssyncadd.s32 $0xFFFFFC00  }
0x19: {  	_ =	swait.ge [sflag:s13], $0x400  }
0x1a: {  	s16 =	sadd.s32 $0x1, s16;
	[sflag:s13] =	ssyncset.done $0x0  }
0x1b: {  	p0 =	sne.s32 s16, s7;
	[sflag:s13] =	ssyncadd.s32 $0xFFFFFC00  }
.Ltmp1:
0x1c: {  	[bflag:$0x0] =	sbarrier.arrive $0xFFFF;
	(pc) =	sbr.rel @!p0 .LBB2_6-.Ltmp1, $4  }
0x1d: {  	[hbm:s6], [sflag:s11] =	dma.local [spmem:s12], $0x280  }
0x1e: {  	_ =	swait.ge [sflag:s10], $0x280  }
0x1f: {  	[sflag:s10] =	ssyncset.done $0x0  }
0x20: {  	[sflag:s10] =	ssyncadd.s32 $0xFFFFFD80  }
.LBB2_1:
0x21: {  	[tilespmem:s9], [sflag:$0x3] =	stream.linear.gather [hbm4b:s4+s3], $0x400, $0x38;
	[tilespmem:$0x1A80] =	vst v63  }
0x22: {  	_ =	swait.ge [sflag:s10], $0x400  }
0x23: {  	[sflag:s10] =	ssyncset.done $0x0  }
0x24: {  	[sflag:s10] =	ssyncadd.s32 $0xFFFFFC00  }
0x25: {  	[spmem:s12], [sflag:s11] =	dma.local [hbm:s5], $0x280  }
.Ltmp2:
0x26: {  	_ =	swait.ge [sflag:s10], $0x280;
	(pc) =	sbr.rel .LBB2_2-.Ltmp2, $4  }
0x27: {  	[sflag:s10] =	ssyncset.done $0x0  }
0x28: {  	[sflag:s10] =	ssyncadd.s32 $0xFFFFFD80  }
0x29: {  	[bflag:$0x0] =	sbarrier.arrive $0xFFFF  }
0x2a: {  	s17 =	smov.u32 s8;
	s18 =	simm.s32 $0x0  }
.LBB2_4:
0x2b: {  	s18 =	sadd.s32 $0x1, s18  }
0x2c: {  	p0 =	sne.s32 s18, $0x50  }
.Ltmp3:
0x2d: {  	_ = 	snop;
	(pc) =	sbr.rel @!p0 .LBB2_5-.Ltmp3, $2  }
0x2e: {  	_ =	sdelay $0x2  }
0x2f: {  	s17 =	sadd.s32 $0x10, s17  }
.LBB2_2:
0x30: {  	p1 =	slt.u32 s18, $0x5  }
0x31: {  	p0 =	seq.s32 @!p1 s18, $0x4F  }
0x32: {  	p0 =	por p1, !p0  }
0x33: {  	s20 =	simm.s32 @!p1 $0x2;
	s19 =	smul.u32 @p0 $0xCD, s18  }
0x34: {  	_ =	swait.ge @!p1 [sflag:s20], $0x400  }
0x35: {  	[sflag:s20] =	ssyncset.done @!p1 $0x0;
	s19 =	sshrl.u32 @p0 s19, $0xA  }
0x36: {  	[sflag:s20] =	ssyncadd.s32 @!p1 $0xFFFFFC00;
	p1 =	seq.s32 @p0 s18, $0x0;
	s19 =	sand.u32 @p0 $0x3F, s19  }
0x37: {  	p1 =	por !p0, !p1;
	s19 =	smul.u32 @p0 $0x5, s19  }
.Ltmp4:
0x38: {  	_ = 	snop;
	(pc) =	sbr.rel @!p1 .LBB2_4-.Ltmp4, $4  }
0x39: {  	s19 =	ssub.s32 @p0 s18, s19  }
0x3a: {  	s19 =	sand.u32 @p0 $0xFF, s19  }
0x3b: {  	s20 =	simm.s32 @p0 $0x0;
	s19 =	sshll.u32 @p0 s19, $0x7  }
0x3c: {  	[tilespmem:s19], [sflag:$0x1] =	stream.linear.gather @p0 [hbm4b:s17+s20], $0x80, $0x38;
	[tilespmem:$0x1A80] =	vst v63  }
0x3d: {  	s19 =	smov.u32 s18  }
0x3e: {  	s19 =	simm.s32 @!p0 $0x4F  }
0x3f: {  	s19 =	sadd.s32 $0xFFFFFFFF, s19  }
0x40: {  	s20 =	sand.u32 $0xFF, s19  }
0x41: {  	s20 =	smul.u32 $0xCD, s20;
	_ =	sdelay $0x1  }
0x42: {  	s20 =	sshrl.u32 s20, $0xA  }
0x43: {  	s20 =	smul.u32 $0x5, s20  }
.Ltmp5:
0x44: {  	_ = 	snop;
	(pc) =	sbr.rel .LBB2_4-.Ltmp5, $4  }
0x45: {  	_ =	swait.ge [sflag:s14], $0x80;
	s19 =	ssub.s32 s19, s20  }
0x46: {  	[sflag:s14] =	ssyncset.done $0x0;
	s19 =	sand.u32 $0xFF, s19  }
0x47: {  	[sflag:s14] =	ssyncadd.s32 $0xFFFFFF80;
	s19 =	sshll.u32 s19, $0x7  }
0x48: {  	[spmem:s2] =	stream.indirect.scatter.add.f32 [tilespmem:s9], [sflag:$0x2], $0x8, s19, s15, $0xb8;
	[tilespmem:$0x1A80] =	vst v63  }
.LBB2_6:
0x49: {  	_ =	sfence.sel $0x180000  }
0x4a: {  	[bflag:$0x0] =	sbarrier.arrive $0xFFFF  }
0x4b: {  	p0 =	sne.s32 s1, $0x0;
	_ =	strace $0x90000047  }
0x4c: {  	s0 =	sadd.s32 @!p0 $0x100000, s0;
	[bflag:$0x2] =	sbarrier.arrive $0xFFFF  }
0x4d: {  	[sflag:s0] =	ssyncadd.tile.s32 @!p0 $0x1;
	_ =	shalt  }
.Lfunc_end2:
_tile_overlayer_lowered:
.L_overlay_start_2:
0x4e: {  	(tag) =	ssettag $0x2  }
0x4f: {  	s0 =	rddreg [dreg:$0x0];
	s2 =	stileid.u32  }
0x50: {  	s1 =	rddreg [dreg:$0x1];
	p0 =	sne.s32 s2, $0x0  }
0x51: {  	s3 =	rddreg [dreg:$0x2];
	[bflag:$0x3] =	sbarrier.arrive $0xFFFF;
	s2 =	simm.s32 @!p0 $0x1C03  }
0x52: {  	[timem:s3], [sflag:s2] =	dma.local @!p0 [hbm:s0], s1  }
0x53: {  	s0 =	simm.s32 @!p0 $0x3  }
0x54: {  	_ =	swait.ge @!p0 [sflag:s0], s1  }
0x55: {  	s1 =	ssub.s32 @!p0 $0x0, s1;
	[sflag:s0] =	ssyncset.done @!p0 $0x0  }
0x56: {  	[sflag:s0] =	ssyncadd.s32 @!p0 s1  }
0x57: {  	[bflag:$0x3] =	sbarrier.arrive $0xFFFF  }
0x58: {  	_ =	shalt  }

</sc_bundles>
